<compile_context>
chip_gen: v7x
topology: tpu7x:2x2x1
jax: 0.10.2.dev20260603
libtpu: 0.0.44.dev20260713+nightly
codegen_flags: <defaults>
</compile_context>

<pallas_src>
import functools

import jax
import jax.numpy as jnp
from jax import lax
from jax.experimental import pallas as pl
from jax.experimental.pallas import tpu as pltpu
from jax.experimental.pallas import tpu_sc as plsc

_L = 16
_NSLOT = 3


def _sc_kernel(d, rows_per_w, chunk_rows, x_hbm, pe_hbm, idx_hbm, out_hbm,
               idx_v, xbuf0, xbuf1, xbuf2, pebuf0, pebuf1, pebuf2,
               sx0, sx1, sx2, sp0, sp1, sp2, so0, so1, so2):
    cid = lax.axis_index("c")
    sid = lax.axis_index("s")
    wid = sid * 2 + cid
    base0 = wid * rows_per_w
    n_chunks = rows_per_w // chunk_rows
    slices_per_row = d // _L

    xbufs = (xbuf0, xbuf1, xbuf2)
    pebufs = (pebuf0, pebuf1, pebuf2)
    sxs = (sx0, sx1, sx2)
    sps = (sp0, sp1, sp2)
    sos = (so0, so1, so2)

    pltpu.sync_copy(idx_hbm.at[pl.ds(base0, rows_per_w)], idx_v)

    def issue_loads(c, slot):
        base = base0 + c * chunk_rows
        pltpu.make_async_copy(
            x_hbm.at[pl.ds(base, chunk_rows)], xbufs[slot], sxs[slot]).start()
        pltpu.make_async_copy(
            pe_hbm.at[idx_v.at[pl.ds(c * chunk_rows, chunk_rows)]],
            pebufs[slot], sps[slot]).start()

    def wait_loads(slot):
        pltpu.make_async_copy(
            x_hbm.at[pl.ds(0, chunk_rows)], xbufs[slot], sxs[slot]).wait()
        pltpu.make_async_copy(
            pe_hbm.at[idx_v.at[pl.ds(0, chunk_rows)]],
            pebufs[slot], sps[slot]).wait()

    def wait_store(slot):
        pltpu.make_async_copy(
            xbufs[slot], out_hbm.at[pl.ds(0, chunk_rows)], sos[slot]).wait()

    issue_loads(0, 0)
    issue_loads(1, 1)

    def process(c, slot, ahead_slot):
        @pl.when(c + 2 < n_chunks)
        def _():
            @pl.when(c >= 1)
            def _():
                wait_store(ahead_slot)
            issue_loads(c + 2, ahead_slot)

        wait_loads(slot)

        def add_row(r, _):
            @plsc.parallel_loop(0, slices_per_row, unroll=8)
            def _(ci):
                off = ci * _L
                plsc.addupdate(xbufs[slot].at[r, pl.ds(off, _L)],
                               pebufs[slot][r, pl.ds(off, _L)])
            return ()

        lax.fori_loop(0, chunk_rows, add_row, ())
        base = base0 + c * chunk_rows
        pltpu.make_async_copy(
            xbufs[slot], out_hbm.at[pl.ds(base, chunk_rows)],
            sos[slot]).start()

    def outer(g, _):
        for b in range(_NSLOT):
            process(_NSLOT * g + b, b, (b + 2) % _NSLOT)
        return ()

    n_main = (n_chunks - 1) // _NSLOT
    lax.fori_loop(0, n_main, outer, ())
    for c in range(n_main * _NSLOT, n_chunks):
        process(c, c % _NSLOT, (c + 2) % _NSLOT)
    for slot in range(_NSLOT):
        wait_store(slot)


def kernel(x, pe, pe_id):
    b, s, d = x.shape
    n_rows = b * s
    xf = x.reshape(n_rows, d)
    pef = pe.reshape(pe.shape[1], d)
    idxf = pe_id.reshape(n_rows).astype(jnp.int32)

    n_workers = 32
    rows_per_w = n_rows // n_workers
    chunk_rows = 16

    mesh = plsc.VectorSubcoreMesh(core_axis_name="c", subcore_axis_name="s",
                                  num_cores=2, num_subcores=16)
    run = pl.kernel(
        functools.partial(_sc_kernel, d, rows_per_w, chunk_rows),
        out_type=jax.ShapeDtypeStruct((n_rows, d), jnp.float32),
        mesh=mesh,
        scratch_types=(
            [pltpu.VMEM((rows_per_w,), jnp.int32)]
            + [pltpu.VMEM((chunk_rows, d), jnp.float32)] * 6
            + [pltpu.SemaphoreType.DMA] * 9
        ),
    )
    out = run(xf, pef, idxf)
    return out.reshape(b, s, d)

# --- scband reference (transcript-rebuilt; emitter-appended) ---
"""Pipeline reference for scband-positional-encoding-3891240370901 (READ-ONLY COPY).

The authoritative reference and input builder live on the scoring server;
editing this copy changes nothing except your own understanding.
"""

import jax, jax.numpy as jnp
import numpy as np

B, S, D = 4, 8192, 1024

def setup_inputs(seed: int = 0) -> dict:
    key = jax.random.key(seed)
    k1, k2, k3 = jax.random.split(key, 3)
    x = jax.random.normal(k1, (B, S, D), dtype=jnp.float32)
    pe_id = jax.random.randint(k2, (B, S), 0, S, dtype=jnp.int32)
    pe = jax.random.normal(k3, (1, S, D), dtype=jnp.float32)
    return {"x": x, "pe": pe, "pe_id": pe_id}

def reference(x, pe, pe_id):
    # pe_id provided for every batch element with full length S, so the torch
    # loop  x[bid][:len(pe_id[bid])] += pe[0][pe_id[bid]]  is equivalent to a
    # batched gather of pe rows followed by an elementwise add.
    gathered = jnp.take(pe[0], pe_id, axis=0)  # [B, S, D]
    return x + gathered

if __name__ == "__main__":
    import jax
    _d = setup_inputs()
    print(jax.jit(kernel)(*tuple(_d.values())))

</pallas_src>

<mosaic_0001>
#map = affine_map<(d0, d1) -> (0, 0)>
#map1 = affine_map<(d0, d1) -> (0)>
module attributes {stable_mosaic.version = 14 : i64} {
  func.func @_sc_kernel(%arg0: i32, %arg1: i32, %arg2: memref<32768x1024xf32, #tpu.memory_space<hbm>>, %arg3: memref<8192x1024xf32, #tpu.memory_space<hbm>>, %arg4: memref<32768xi32, #tpu.memory_space<hbm>>, %arg5: memref<32768x1024xf32, #tpu.memory_space<hbm>>, %arg6: memref<1024xi32, #tpu.memory_space<vmem>>, %arg7: memref<16x1024xf32, #tpu.memory_space<vmem>>, %arg8: memref<16x1024xf32, #tpu.memory_space<vmem>>, %arg9: memref<16x1024xf32, #tpu.memory_space<vmem>>, %arg10: memref<16x1024xf32, #tpu.memory_space<vmem>>, %arg11: memref<16x1024xf32, #tpu.memory_space<vmem>>, %arg12: memref<16x1024xf32, #tpu.memory_space<vmem>>, %arg13: memref<!tpu.dma_semaphore, #tpu.memory_space<semaphore_mem>>, %arg14: memref<!tpu.dma_semaphore, #tpu.memory_space<semaphore_mem>>, %arg15: memref<!tpu.dma_semaphore, #tpu.memory_space<semaphore_mem>>, %arg16: memref<!tpu.dma_semaphore, #tpu.memory_space<semaphore_mem>>, %arg17: memref<!tpu.dma_semaphore, #tpu.memory_space<semaphore_mem>>, %arg18: memref<!tpu.dma_semaphore, #tpu.memory_space<semaphore_mem>>, %arg19: memref<!tpu.dma_semaphore, #tpu.memory_space<semaphore_mem>>, %arg20: memref<!tpu.dma_semaphore, #tpu.memory_space<semaphore_mem>>, %arg21: memref<!tpu.dma_semaphore, #tpu.memory_space<semaphore_mem>>) attributes {dimension_semantics = [#tpu.dimension_semantics<core_parallel>, #tpu.dimension_semantics<subcore_parallel>], iteration_bounds = array<i64: 2, 16>, scalar_prefetch = 0 : i64, scratch_operands = 16 : i64, tpu.core_type = #tpu.core_type<sc_vector_subcore>, window_params = [{transform_indices = #map}, {transform_indices = #map}, {transform_indices = #map1}, {transform_indices = #map}]} {
    %mul3A = arith.constant 2 : i32
    %mul3A_0 = arith.muli %arg1, %mul3A : i32
    %add3A = arith.addi %mul3A_0, %arg0 : i32
    %mul3A_1 = arith.constant 1024 : i32
    %mul3A_2 = arith.muli %add3A, %mul3A_1 : i32
    "tpu.region"() ({
      %run_scoped3A = tpu.sem_alloc : memref<!tpu.dma_semaphore, #tpu.memory_space<semaphore_mem>>
      %dma_start3A_67 = tpu.memref_slice %arg4[%mul3A_2] : memref<32768xi32, #tpu.memory_space<hbm>> -> memref<1024xi32, #tpu.memory_space<hbm>>
      %dma_start3A_68 = tpu.memref_slice %arg4[%mul3A_2] : memref<32768xi32, #tpu.memory_space<hbm>> -> memref<1024xi32, #tpu.memory_space<hbm>>
      tpu.enqueue_dma source(%dma_start3A_68 : memref<1024xi32, #tpu.memory_space<hbm>>) target(%arg6 : memref<1024xi32, #tpu.memory_space<vmem>>) target_semaphore(%run_scoped3A : memref<!tpu.dma_semaphore, #tpu.memory_space<semaphore_mem>>)
      %dma_wait3A_69 = tpu.memref_slice %arg4[%mul3A_2] : memref<32768xi32, #tpu.memory_space<hbm>> -> memref<1024xi32, #tpu.memory_space<hbm>>
      %dma_wait3A_70 = tpu.memref_slice %arg4[%mul3A_2] : memref<32768xi32, #tpu.memory_space<hbm>> -> memref<1024xi32, #tpu.memory_space<hbm>>
      tpu.wait_dma2 semaphore(%run_scoped3A : memref<!tpu.dma_semaphore, #tpu.memory_space<semaphore_mem>>) src(%dma_wait3A_70 : memref<1024xi32, #tpu.memory_space<hbm>>) dst(%arg6 : memref<1024xi32, #tpu.memory_space<vmem>>)
      tpu.yield
    }) : () -> ()
    %add3A_3 = arith.constant 0 : i32
    %add3A_4 = arith.addi %mul3A_2, %add3A_3 : i32
    %dma_start3A = arith.constant 0 : i32
    %dma_start3A_5 = tpu.memref_slice %arg2[%add3A_4, %dma_start3A] : memref<32768x1024xf32, #tpu.memory_space<hbm>> -> memref<16x1024xf32, #tpu.memory_space<hbm>>
    %dma_start3A_6 = arith.constant 0 : i32
    %dma_start3A_7 = tpu.memref_slice %arg2[%add3A_4, %dma_start3A_6] : memref<32768x1024xf32, #tpu.memory_space<hbm>> -> memref<16x1024xf32, #tpu.memory_space<hbm>>
    tpu.enqueue_dma source(%dma_start3A_7 : memref<16x1024xf32, #tpu.memory_space<hbm>>) target(%arg7 : memref<16x1024xf32, #tpu.memory_space<vmem>>) target_semaphore(%arg13 : memref<!tpu.dma_semaphore, #tpu.memory_space<semaphore_mem>>)
    %dma_start3A_8 = arith.constant 0 : i32
    %dma_start3A_9 = tpu.memref_slice %arg6[%dma_start3A_8] : memref<1024xi32, #tpu.memory_space<vmem>> -> memref<16xi32, #tpu.memory_space<vmem>>
    %dma_start3A_10 = arith.constant 0 : i32
    %dma_start3A_11 = arith.constant 0 : i32
    %dma_start3A_12 = tpu.memref_slice %arg3[%dma_start3A_10, %dma_start3A_11] : memref<8192x1024xf32, #tpu.memory_space<hbm>> -> memref<8192x1024xf32, #tpu.memory_space<hbm>>
    tpu.enqueue_indirect_dma source(%dma_start3A_12 : memref<8192x1024xf32, #tpu.memory_space<hbm>>) target(%arg10 : memref<16x1024xf32, #tpu.memory_space<vmem>>) offsets(%dma_start3A_9 : memref<16xi32, #tpu.memory_space<vmem>>) semaphore(%arg16 : memref<!tpu.dma_semaphore, #tpu.memory_space<semaphore_mem>>)
    %add3A_13 = arith.constant 16 : i32
    %add3A_14 = arith.addi %mul3A_2, %add3A_13 : i32
    %dma_start3A_15 = arith.constant 0 : i32
    %dma_start3A_16 = tpu.memref_slice %arg2[%add3A_14, %dma_start3A_15] : memref<32768x1024xf32, #tpu.memory_space<hbm>> -> memref<16x1024xf32, #tpu.memory_space<hbm>>
    %dma_start3A_17 = arith.constant 0 : i32
    %dma_start3A_18 = tpu.memref_slice %arg2[%add3A_14, %dma_start3A_17] : memref<32768x1024xf32, #tpu.memory_space<hbm>> -> memref<16x1024xf32, #tpu.memory_space<hbm>>
    tpu.enqueue_dma source(%dma_start3A_18 : memref<16x1024xf32, #tpu.memory_space<hbm>>) target(%arg8 : memref<16x1024xf32, #tpu.memory_space<vmem>>) target_semaphore(%arg14 : memref<!tpu.dma_semaphore, #tpu.memory_space<semaphore_mem>>)
    %dma_start3A_19 = arith.constant 16 : i32
    %dma_start3A_20 = tpu.memref_slice %arg6[%dma_start3A_19] : memref<1024xi32, #tpu.memory_space<vmem>> -> memref<16xi32, #tpu.memory_space<vmem>>
    %dma_start3A_21 = arith.constant 0 : i32
    %dma_start3A_22 = arith.constant 0 : i32
    %dma_start3A_23 = tpu.memref_slice %arg3[%dma_start3A_21, %dma_start3A_22] : memref<8192x1024xf32, #tpu.memory_space<hbm>> -> memref<8192x1024xf32, #tpu.memory_space<hbm>>
    tpu.enqueue_indirect_dma source(%dma_start3A_23 : memref<8192x1024xf32, #tpu.memory_space<hbm>>) target(%arg11 : memref<16x1024xf32, #tpu.memory_space<vmem>>) offsets(%dma_start3A_20 : memref<16xi32, #tpu.memory_space<vmem>>) semaphore(%arg17 : memref<!tpu.dma_semaphore, #tpu.memory_space<semaphore_mem>>)
    %scan3A = arith.constant 0 : i32
    %scan3A_24 = arith.constant 21 : i32
    %scan3A_25 = arith.addi %scan3A, %scan3A_24 : i32
    %scan3A_26 = arith.constant 1 : i32
    scf.for %scan3A_67 = %scan3A to %scan3A_25 step %scan3A_26  : i32 {
      %mul3A_68 = arith.constant 3 : i32
      %mul3A_69 = arith.muli %mul3A_68, %scan3A_67 : i32
      %add3A_70 = arith.constant 0 : i32
      %add3A_71 = arith.addi %mul3A_69, %add3A_70 : i32
      %add3A_72 = arith.constant 2 : i32
      %add3A_73 = arith.addi %add3A_71, %add3A_72 : i32
      %lt3A = arith.constant 64 : i32
      %lt3A_74 = arith.cmpi slt, %add3A_73, %lt3A : i32
      %convert_element_type3A = arith.extui %lt3A_74 : i1 to i32
      %cond3A = arith.constant 0 : i32
      %cond3A_75 = arith.cmpi ne, %convert_element_type3A, %cond3A : i32
      scf.if %cond3A_75 {
        %ge3A = arith.constant 1 : i32
        %ge3A_167 = arith.cmpi sge, %add3A_71, %ge3A : i32
        %convert_element_type3A_168 = arith.extui %ge3A_167 : i1 to i32
        %cond3A_169 = arith.constant 0 : i32
        %cond3A_170 = arith.cmpi ne, %convert_element_type3A_168, %cond3A_169 : i32
        scf.if %cond3A_170 {
          %dma_wait3A_186 = arith.constant 0 : i32
          %dma_wait3A_187 = arith.constant 0 : i32
          %dma_wait3A_188 = tpu.memref_slice %arg5[%dma_wait3A_186, %dma_wait3A_187] : memref<32768x1024xf32, #tpu.memory_space<hbm>> -> memref<16x1024xf32, #tpu.memory_space<hbm>>
          %dma_wait3A_189 = arith.constant 0 : i32
          %dma_wait3A_190 = arith.constant 0 : i32
          %dma_wait3A_191 = tpu.memref_slice %arg5[%dma_wait3A_189, %dma_wait3A_190] : memref<32768x1024xf32, #tpu.memory_space<hbm>> -> memref<16x1024xf32, #tpu.memory_space<hbm>>
          tpu.wait_dma2 semaphore(%arg21 : memref<!tpu.dma_semaphore, #tpu.memory_space<semaphore_mem>>) src(%arg9 : memref<16x1024xf32, #tpu.memory_space<vmem>>) dst(%dma_wait3A_191 : memref<16x1024xf32, #tpu.memory_space<hbm>>)
        } else {
        }
        %add3A_171 = arith.constant 2 : i32
        %add3A_172 = arith.addi %add3A_71, %add3A_171 : i32
        %mul3A_173 = arith.constant 16 : i32
        %mul3A_174 = arith.muli %add3A_172, %mul3A_173 : i32
        %add3A_175 = arith.addi %mul3A_2, %mul3A_174 : i32
        %dma_start3A_176 = arith.constant 0 : i32
        %dma_start3A_177 = tpu.memref_slice %arg2[%add3A_175, %dma_start3A_176] : memref<32768x1024xf32, #tpu.memory_space<hbm>> -> memref<16x1024xf32, #tpu.memory_space<hbm>>
        %dma_start3A_178 = arith.constant 0 : i32
        %dma_start3A_179 = tpu.memref_slice %arg2[%add3A_175, %dma_start3A_178] : memref<32768x1024xf32, #tpu.memory_space<hbm>> -> memref<16x1024xf32, #tpu.memory_space<hbm>>
        tpu.enqueue_dma source(%dma_start3A_179 : memref<16x1024xf32, #tpu.memory_space<hbm>>) target(%arg9 : memref<16x1024xf32, #tpu.memory_space<vmem>>) target_semaphore(%arg15 : memref<!tpu.dma_semaphore, #tpu.memory_space<semaphore_mem>>)
        %mul3A_180 = arith.constant 16 : i32
        %mul3A_181 = arith.muli %add3A_172, %mul3A_180 : i32
        %dma_start3A_182 = tpu.memref_slice %arg6[%mul3A_181] : memref<1024xi32, #tpu.memory_space<vmem>> -> memref<16xi32, #tpu.memory_space<vmem>>
        %dma_start3A_183 = arith.constant 0 : i32
        %dma_start3A_184 = arith.constant 0 : i32
        %dma_start3A_185 = tpu.memref_slice %arg3[%dma_start3A_183, %dma_start3A_184] : memref<8192x1024xf32, #tpu.memory_space<hbm>> -> memref<8192x1024xf32, #tpu.memory_space<hbm>>
        tpu.enqueue_indirect_dma source(%dma_start3A_185 : memref<8192x1024xf32, #tpu.memory_space<hbm>>) target(%arg12 : memref<16x1024xf32, #tpu.memory_space<vmem>>) offsets(%dma_start3A_182 : memref<16xi32, #tpu.memory_space<vmem>>) semaphore(%arg18 : memref<!tpu.dma_semaphore, #tpu.memory_space<semaphore_mem>>)
      } else {
      }
      %dma_wait3A_76 = arith.constant 0 : i32
      %dma_wait3A_77 = arith.constant 0 : i32
      %dma_wait3A_78 = tpu.memref_slice %arg2[%dma_wait3A_76, %dma_wait3A_77] : memref<32768x1024xf32, #tpu.memory_space<hbm>> -> memref<16x1024xf32, #tpu.memory_space<hbm>>
      %dma_wait3A_79 = arith.constant 0 : i32
      %dma_wait3A_80 = arith.constant 0 : i32
      %dma_wait3A_81 = tpu.memref_slice %arg2[%dma_wait3A_79, %dma_wait3A_80] : memref<32768x1024xf32, #tpu.memory_space<hbm>> -> memref<16x1024xf32, #tpu.memory_space<hbm>>
      tpu.wait_dma2 semaphore(%arg13 : memref<!tpu.dma_semaphore, #tpu.memory_space<semaphore_mem>>) src(%dma_wait3A_81 : memref<16x1024xf32, #tpu.memory_space<hbm>>) dst(%arg7 : memref<16x1024xf32, #tpu.memory_space<vmem>>)
      %dma_wait3A_82 = arith.constant 0 : i32
      %dma_wait3A_83 = tpu.memref_slice %arg6[%dma_wait3A_82] : memref<1024xi32, #tpu.memory_space<vmem>> -> memref<16xi32, #tpu.memory_space<vmem>>
      %dma_wait3A_84 = arith.constant 0 : i32
      %dma_wait3A_85 = arith.constant 0 : i32
      %dma_wait3A_86 = tpu.memref_slice %arg3[%dma_wait3A_84, %dma_wait3A_85] : memref<8192x1024xf32, #tpu.memory_space<hbm>> -> memref<8192x1024xf32, #tpu.memory_space<hbm>>
      tpu.wait_indirect_dma semaphore(%arg16 : memref<!tpu.dma_semaphore, #tpu.memory_space<semaphore_mem>>) src(%dma_wait3A_86 : memref<8192x1024xf32, #tpu.memory_space<hbm>>) dst(%arg10 : memref<16x1024xf32, #tpu.memory_space<vmem>>)
      %scan3A_87 = arith.constant 0 : i32
      %scan3A_88 = arith.constant 16 : i32
      %scan3A_89 = arith.addi %scan3A_87, %scan3A_88 : i32
      %scan3A_90 = arith.constant 1 : i32
      scf.for %scan3A_167 = %scan3A_87 to %scan3A_89 step %scan3A_90  : i32 {
        %parallel_loop3A = arith.constant 0 : i32
        %parallel_loop3A_168 = arith.constant 64 : i32
        %parallel_loop3A_169 = arith.constant 1 : i32
        scf.for %parallel_loop3A_170 = %parallel_loop3A to %parallel_loop3A_168 step %parallel_loop3A_169  : i32 {
          %parallel_loop3A_171 = arith.constant 16 : i32
          %parallel_loop3A_172 = arith.muli %parallel_loop3A_170, %parallel_loop3A_171 : i32
          %parallel_loop3A_173 = arith.index_cast %scan3A_167 : i32 to index
          %parallel_loop3A_174 = arith.index_cast %parallel_loop3A_172 : i32 to index
          %parallel_loop3A_175 = tpu.vector_load %arg10[%parallel_loop3A_173, %parallel_loop3A_174] {strides = array<i32>} : memref<16x1024xf32, #tpu.memory_space<vmem>>, vector<1x16xf32>,
          %parallel_loop3A_176 = vector.shape_cast %parallel_loop3A_175 : vector<1x16xf32> to vector<16xf32>
          %parallel_loop3A_177 = arith.index_cast %scan3A_167 : i32 to index
          %parallel_loop3A_178 = arith.index_cast %parallel_loop3A_172 : i32 to index
          %parallel_loop3A_179 = tpu.vector_load %arg7[%parallel_loop3A_177, %parallel_loop3A_178] {strides = array<i32>} : memref<16x1024xf32, #tpu.memory_space<vmem>>, vector<1x16xf32>,
          %parallel_loop3A_180 = vector.shape_cast %parallel_loop3A_179 : vector<1x16xf32> to vector<16xf32>
          %parallel_loop3A_181 = vector.shape_cast %parallel_loop3A_176 : vector<16xf32> to vector<1x16xf32>
          tpu.vector_store %arg7[%parallel_loop3A_177, %parallel_loop3A_178], %parallel_loop3A_181 {add = true, strides = array<i32>} : memref<16x1024xf32, #tpu.memory_space<vmem>>, vector<1x16xf32>,
        } {sc.loop_unroll_factor = 8 : i64, sc.parallel_access}
      }
      %scan3A_91 = arith.constant 16 : i32
      %mul3A_92 = arith.constant 16 : i32
      %mul3A_93 = arith.muli %add3A_71, %mul3A_92 : i32
      %add3A_94 = arith.addi %mul3A_2, %mul3A_93 : i32
      %dma_start3A_95 = arith.constant 0 : i32
      %dma_start3A_96 = tpu.memref_slice %arg5[%add3A_94, %dma_start3A_95] : memref<32768x1024xf32, #tpu.memory_space<hbm>> -> memref<16x1024xf32, #tpu.memory_space<hbm>>
      %dma_start3A_97 = arith.constant 0 : i32
      %dma_start3A_98 = tpu.memref_slice %arg5[%add3A_94, %dma_start3A_97] : memref<32768x1024xf32, #tpu.memory_space<hbm>> -> memref<16x1024xf32, #tpu.memory_space<hbm>>
      tpu.enqueue_dma source(%arg7 : memref<16x1024xf32, #tpu.memory_space<vmem>>) target(%dma_start3A_98 : memref<16x1024xf32, #tpu.memory_space<hbm>>) target_semaphore(%arg19 : memref<!tpu.dma_semaphore, #tpu.memory_space<semaphore_mem>>)
      %mul3A_99 = arith.constant 3 : i32
      %mul3A_100 = arith.muli %mul3A_99, %scan3A_67 : i32
      %add3A_101 = arith.constant 1 : i32
      %add3A_102 = arith.addi %mul3A_100, %add3A_101 : i32
      %add3A_103 = arith.constant 2 : i32
      %add3A_104 = arith.addi %add3A_102, %add3A_103 : i32
      %lt3A_105 = arith.constant 64 : i32
      %lt3A_106 = arith.cmpi slt, %add3A_104, %lt3A_105 : i32
      %convert_element_type3A_107 = arith.extui %lt3A_106 : i1 to i32
      %cond3A_108 = arith.constant 0 : i32
      %cond3A_109 = arith.cmpi ne, %convert_element_type3A_107, %cond3A_108 : i32
      scf.if %cond3A_109 {
        %ge3A = arith.constant 1 : i32
        %ge3A_167 = arith.cmpi sge, %add3A_102, %ge3A : i32
        %convert_element_type3A_168 = arith.extui %ge3A_167 : i1 to i32
        %cond3A_169 = arith.constant 0 : i32
        %cond3A_170 = arith.cmpi ne, %convert_element_type3A_168, %cond3A_169 : i32
        scf.if %cond3A_170 {
          %dma_wait3A_186 = arith.constant 0 : i32
          %dma_wait3A_187 = arith.constant 0 : i32
          %dma_wait3A_188 = tpu.memref_slice %arg5[%dma_wait3A_186, %dma_wait3A_187] : memref<32768x1024xf32, #tpu.memory_space<hbm>> -> memref<16x1024xf32, #tpu.memory_space<hbm>>
          %dma_wait3A_189 = arith.constant 0 : i32
          %dma_wait3A_190 = arith.constant 0 : i32
          %dma_wait3A_191 = tpu.memref_slice %arg5[%dma_wait3A_189, %dma_wait3A_190] : memref<32768x1024xf32, #tpu.memory_space<hbm>> -> memref<16x1024xf32, #tpu.memory_space<hbm>>
          tpu.wait_dma2 semaphore(%arg19 : memref<!tpu.dma_semaphore, #tpu.memory_space<semaphore_mem>>) src(%arg7 : memref<16x1024xf32, #tpu.memory_space<vmem>>) dst(%dma_wait3A_191 : memref<16x1024xf32, #tpu.memory_space<hbm>>)
        } else {
        }
        %add3A_171 = arith.constant 2 : i32
        %add3A_172 = arith.addi %add3A_102, %add3A_171 : i32
        %mul3A_173 = arith.constant 16 : i32
        %mul3A_174 = arith.muli %add3A_172, %mul3A_173 : i32
        %add3A_175 = arith.addi %mul3A_2, %mul3A_174 : i32
        %dma_start3A_176 = arith.constant 0 : i32
        %dma_start3A_177 = tpu.memref_slice %arg2[%add3A_175, %dma_start3A_176] : memref<32768x1024xf32, #tpu.memory_space<hbm>> -> memref<16x1024xf32, #tpu.memory_space<hbm>>
        %dma_start3A_178 = arith.constant 0 : i32
        %dma_start3A_179 = tpu.memref_slice %arg2[%add3A_175, %dma_start3A_178] : memref<32768x1024xf32, #tpu.memory_space<hbm>> -> memref<16x1024xf32, #tpu.memory_space<hbm>>
        tpu.enqueue_dma source(%dma_start3A_179 : memref<16x1024xf32, #tpu.memory_space<hbm>>) target(%arg7 : memref<16x1024xf32, #tpu.memory_space<vmem>>) target_semaphore(%arg13 : memref<!tpu.dma_semaphore, #tpu.memory_space<semaphore_mem>>)
        %mul3A_180 = arith.constant 16 : i32
        %mul3A_181 = arith.muli %add3A_172, %mul3A_180 : i32
        %dma_start3A_182 = tpu.memref_slice %arg6[%mul3A_181] : memref<1024xi32, #tpu.memory_space<vmem>> -> memref<16xi32, #tpu.memory_space<vmem>>
        %dma_start3A_183 = arith.constant 0 : i32
        %dma_start3A_184 = arith.constant 0 : i32
        %dma_start3A_185 = tpu.memref_slice %arg3[%dma_start3A_183, %dma_start3A_184] : memref<8192x1024xf32, #tpu.memory_space<hbm>> -> memref<8192x1024xf32, #tpu.memory_space<hbm>>
        tpu.enqueue_indirect_dma source(%dma_start3A_185 : memref<8192x1024xf32, #tpu.memory_space<hbm>>) target(%arg10 : memref<16x1024xf32, #tpu.memory_space<vmem>>) offsets(%dma_start3A_182 : memref<16xi32, #tpu.memory_space<vmem>>) semaphore(%arg16 : memref<!tpu.dma_semaphore, #tpu.memory_space<semaphore_mem>>)
      } else {
      }
      %dma_wait3A_110 = arith.constant 0 : i32
      %dma_wait3A_111 = arith.constant 0 : i32
      %dma_wait3A_112 = tpu.memref_slice %arg2[%dma_wait3A_110, %dma_wait3A_111] : memref<32768x1024xf32, #tpu.memory_space<hbm>> -> memref<16x1024xf32, #tpu.memory_space<hbm>>
      %dma_wait3A_113 = arith.constant 0 : i32
      %dma_wait3A_114 = arith.constant 0 : i32
      %dma_wait3A_115 = tpu.memref_slice %arg2[%dma_wait3A_113, %dma_wait3A_114] : memref<32768x1024xf32, #tpu.memory_space<hbm>> -> memref<16x1024xf32, #tpu.memory_space<hbm>>
      tpu.wait_dma2 semaphore(%arg14 : memref<!tpu.dma_semaphore, #tpu.memory_space<semaphore_mem>>) src(%dma_wait3A_115 : memref<16x1024xf32, #tpu.memory_space<hbm>>) dst(%arg8 : memref<16x1024xf32, #tpu.memory_space<vmem>>)
      %dma_wait3A_116 = arith.constant 0 : i32
      %dma_wait3A_117 = tpu.memref_slice %arg6[%dma_wait3A_116] : memref<1024xi32, #tpu.memory_space<vmem>> -> memref<16xi32, #tpu.memory_space<vmem>>
      %dma_wait3A_118 = arith.constant 0 : i32
      %dma_wait3A_119 = arith.constant 0 : i32
      %dma_wait3A_120 = tpu.memref_slice %arg3[%dma_wait3A_118, %dma_wait3A_119] : memref<8192x1024xf32, #tpu.memory_space<hbm>> -> memref<8192x1024xf32, #tpu.memory_space<hbm>>
      tpu.wait_indirect_dma semaphore(%arg17 : memref<!tpu.dma_semaphore, #tpu.memory_space<semaphore_mem>>) src(%dma_wait3A_120 : memref<8192x1024xf32, #tpu.memory_space<hbm>>) dst(%arg11 : memref<16x1024xf32, #tpu.memory_space<vmem>>)
      %scan3A_121 = arith.constant 0 : i32
      %scan3A_122 = arith.constant 16 : i32
      %scan3A_123 = arith.addi %scan3A_121, %scan3A_122 : i32
      %scan3A_124 = arith.constant 1 : i32
      scf.for %scan3A_167 = %scan3A_121 to %scan3A_123 step %scan3A_124  : i32 {
        %parallel_loop3A = arith.constant 0 : i32
        %parallel_loop3A_168 = arith.constant 64 : i32
        %parallel_loop3A_169 = arith.constant 1 : i32
        scf.for %parallel_loop3A_170 = %parallel_loop3A to %parallel_loop3A_168 step %parallel_loop3A_169  : i32 {
          %parallel_loop3A_171 = arith.constant 16 : i32
          %parallel_loop3A_172 = arith.muli %parallel_loop3A_170, %parallel_loop3A_171 : i32
          %parallel_loop3A_173 = arith.index_cast %scan3A_167 : i32 to index
          %parallel_loop3A_174 = arith.index_cast %parallel_loop3A_172 : i32 to index
          %parallel_loop3A_175 = tpu.vector_load %arg11[%parallel_loop3A_173, %parallel_loop3A_174] {strides = array<i32>} : memref<16x1024xf32, #tpu.memory_space<vmem>>, vector<1x16xf32>,
          %parallel_loop3A_176 = vector.shape_cast %parallel_loop3A_175 : vector<1x16xf32> to vector<16xf32>
          %parallel_loop3A_177 = arith.index_cast %scan3A_167 : i32 to index
          %parallel_loop3A_178 = arith.index_cast %parallel_loop3A_172 : i32 to index
          %parallel_loop3A_179 = tpu.vector_load %arg8[%parallel_loop3A_177, %parallel_loop3A_178] {strides = array<i32>} : memref<16x1024xf32, #tpu.memory_space<vmem>>, vector<1x16xf32>,
          %parallel_loop3A_180 = vector.shape_cast %parallel_loop3A_179 : vector<1x16xf32> to vector<16xf32>
          %parallel_loop3A_181 = vector.shape_cast %parallel_loop3A_176 : vector<16xf32> to vector<1x16xf32>
          tpu.vector_store %arg8[%parallel_loop3A_177, %parallel_loop3A_178], %parallel_loop3A_181 {add = true, strides = array<i32>} : memref<16x1024xf32, #tpu.memory_space<vmem>>, vector<1x16xf32>,
        } {sc.loop_unroll_factor = 8 : i64, sc.parallel_access}
      }
      %scan3A_125 = arith.constant 16 : i32
      %mul3A_126 = arith.constant 16 : i32
      %mul3A_127 = arith.muli %add3A_102, %mul3A_126 : i32
      %add3A_128 = arith.addi %mul3A_2, %mul3A_127 : i32
      %dma_start3A_129 = arith.constant 0 : i32
      %dma_start3A_130 = tpu.memref_slice %arg5[%add3A_128, %dma_start3A_129] : memref<32768x1024xf32, #tpu.memory_space<hbm>> -> memref<16x1024xf32, #tpu.memory_space<hbm>>
      %dma_start3A_131 = arith.constant 0 : i32
      %dma_start3A_132 = tpu.memref_slice %arg5[%add3A_128, %dma_start3A_131] : memref<32768x1024xf32, #tpu.memory_space<hbm>> -> memref<16x1024xf32, #tpu.memory_space<hbm>>
      tpu.enqueue_dma source(%arg8 : memref<16x1024xf32, #tpu.memory_space<vmem>>) target(%dma_start3A_132 : memref<16x1024xf32, #tpu.memory_space<hbm>>) target_semaphore(%arg20 : memref<!tpu.dma_semaphore, #tpu.memory_space<semaphore_mem>>)
      %mul3A_133 = arith.constant 3 : i32
      %mul3A_134 = arith.muli %mul3A_133, %scan3A_67 : i32
      %add3A_135 = arith.constant 2 : i32
      %add3A_136 = arith.addi %mul3A_134, %add3A_135 : i32
      %add3A_137 = arith.constant 2 : i32
      %add3A_138 = arith.addi %add3A_136, %add3A_137 : i32
      %lt3A_139 = arith.constant 64 : i32
      %lt3A_140 = arith.cmpi slt, %add3A_138, %lt3A_139 : i32
      %convert_element_type3A_141 = arith.extui %lt3A_140 : i1 to i32
      %cond3A_142 = arith.constant 0 : i32
      %cond3A_143 = arith.cmpi ne, %convert_element_type3A_141, %cond3A_142 : i32
      scf.if %cond3A_143 {
        %ge3A = arith.constant 1 : i32
        %ge3A_167 = arith.cmpi sge, %add3A_136, %ge3A : i32
        %convert_element_type3A_168 = arith.extui %ge3A_167 : i1 to i32
        %cond3A_169 = arith.constant 0 : i32
        %cond3A_170 = arith.cmpi ne, %convert_element_type3A_168, %cond3A_169 : i32
        scf.if %cond3A_170 {
          %dma_wait3A_186 = arith.constant 0 : i32
          %dma_wait3A_187 = arith.constant 0 : i32
          %dma_wait3A_188 = tpu.memref_slice %arg5[%dma_wait3A_186, %dma_wait3A_187] : memref<32768x1024xf32, #tpu.memory_space<hbm>> -> memref<16x1024xf32, #tpu.memory_space<hbm>>
          %dma_wait3A_189 = arith.constant 0 : i32
          %dma_wait3A_190 = arith.constant 0 : i32
          %dma_wait3A_191 = tpu.memref_slice %arg5[%dma_wait3A_189, %dma_wait3A_190] : memref<32768x1024xf32, #tpu.memory_space<hbm>> -> memref<16x1024xf32, #tpu.memory_space<hbm>>
          tpu.wait_dma2 semaphore(%arg20 : memref<!tpu.dma_semaphore, #tpu.memory_space<semaphore_mem>>) src(%arg8 : memref<16x1024xf32, #tpu.memory_space<vmem>>) dst(%dma_wait3A_191 : memref<16x1024xf32, #tpu.memory_space<hbm>>)
        } else {
        }
        %add3A_171 = arith.constant 2 : i32
        %add3A_172 = arith.addi %add3A_136, %add3A_171 : i32
        %mul3A_173 = arith.constant 16 : i32
        %mul3A_174 = arith.muli %add3A_172, %mul3A_173 : i32
        %add3A_175 = arith.addi %mul3A_2, %mul3A_174 : i32
        %dma_start3A_176 = arith.constant 0 : i32
        %dma_start3A_177 = tpu.memref_slice %arg2[%add3A_175, %dma_start3A_176] : memref<32768x1024xf32, #tpu.memory_space<hbm>> -> memref<16x1024xf32, #tpu.memory_space<hbm>>
        %dma_start3A_178 = arith.constant 0 : i32
        %dma_start3A_179 = tpu.memref_slice %arg2[%add3A_175, %dma_start3A_178] : memref<32768x1024xf32, #tpu.memory_space<hbm>> -> memref<16x1024xf32, #tpu.memory_space<hbm>>
        tpu.enqueue_dma source(%dma_start3A_179 : memref<16x1024xf32, #tpu.memory_space<hbm>>) target(%arg8 : memref<16x1024xf32, #tpu.memory_space<vmem>>) target_semaphore(%arg14 : memref<!tpu.dma_semaphore, #tpu.memory_space<semaphore_mem>>)
        %mul3A_180 = arith.constant 16 : i32
        %mul3A_181 = arith.muli %add3A_172, %mul3A_180 : i32
        %dma_start3A_182 = tpu.memref_slice %arg6[%mul3A_181] : memref<1024xi32, #tpu.memory_space<vmem>> -> memref<16xi32, #tpu.memory_space<vmem>>
        %dma_start3A_183 = arith.constant 0 : i32
        %dma_start3A_184 = arith.constant 0 : i32
        %dma_start3A_185 = tpu.memref_slice %arg3[%dma_start3A_183, %dma_start3A_184] : memref<8192x1024xf32, #tpu.memory_space<hbm>> -> memref<8192x1024xf32, #tpu.memory_space<hbm>>
        tpu.enqueue_indirect_dma source(%dma_start3A_185 : memref<8192x1024xf32, #tpu.memory_space<hbm>>) target(%arg11 : memref<16x1024xf32, #tpu.memory_space<vmem>>) offsets(%dma_start3A_182 : memref<16xi32, #tpu.memory_space<vmem>>) semaphore(%arg17 : memref<!tpu.dma_semaphore, #tpu.memory_space<semaphore_mem>>)
      } else {
      }
      %dma_wait3A_144 = arith.constant 0 : i32
      %dma_wait3A_145 = arith.constant 0 : i32
      %dma_wait3A_146 = tpu.memref_slice %arg2[%dma_wait3A_144, %dma_wait3A_145] : memref<32768x1024xf32, #tpu.memory_space<hbm>> -> memref<16x1024xf32, #tpu.memory_space<hbm>>
      %dma_wait3A_147 = arith.constant 0 : i32
      %dma_wait3A_148 = arith.constant 0 : i32
      %dma_wait3A_149 = tpu.memref_slice %arg2[%dma_wait3A_147, %dma_wait3A_148] : memref<32768x1024xf32, #tpu.memory_space<hbm>> -> memref<16x1024xf32, #tpu.memory_space<hbm>>
      tpu.wait_dma2 semaphore(%arg15 : memref<!tpu.dma_semaphore, #tpu.memory_space<semaphore_mem>>) src(%dma_wait3A_149 : memref<16x1024xf32, #tpu.memory_space<hbm>>) dst(%arg9 : memref<16x1024xf32, #tpu.memory_space<vmem>>)
      %dma_wait3A_150 = arith.constant 0 : i32
      %dma_wait3A_151 = tpu.memref_slice %arg6[%dma_wait3A_150] : memref<1024xi32, #tpu.memory_space<vmem>> -> memref<16xi32, #tpu.memory_space<vmem>>
      %dma_wait3A_152 = arith.constant 0 : i32
      %dma_wait3A_153 = arith.constant 0 : i32
      %dma_wait3A_154 = tpu.memref_slice %arg3[%dma_wait3A_152, %dma_wait3A_153] : memref<8192x1024xf32, #tpu.memory_space<hbm>> -> memref<8192x1024xf32, #tpu.memory_space<hbm>>
      tpu.wait_indirect_dma semaphore(%arg18 : memref<!tpu.dma_semaphore, #tpu.memory_space<semaphore_mem>>) src(%dma_wait3A_154 : memref<8192x1024xf32, #tpu.memory_space<hbm>>) dst(%arg12 : memref<16x1024xf32, #tpu.memory_space<vmem>>)
      %scan3A_155 = arith.constant 0 : i32
      %scan3A_156 = arith.constant 16 : i32
      %scan3A_157 = arith.addi %scan3A_155, %scan3A_156 : i32
      %scan3A_158 = arith.constant 1 : i32
      scf.for %scan3A_167 = %scan3A_155 to %scan3A_157 step %scan3A_158  : i32 {
        %parallel_loop3A = arith.constant 0 : i32
        %parallel_loop3A_168 = arith.constant 64 : i32
        %parallel_loop3A_169 = arith.constant 1 : i32
        scf.for %parallel_loop3A_170 = %parallel_loop3A to %parallel_loop3A_168 step %parallel_loop3A_169  : i32 {
          %parallel_loop3A_171 = arith.constant 16 : i32
          %parallel_loop3A_172 = arith.muli %parallel_loop3A_170, %parallel_loop3A_171 : i32
          %parallel_loop3A_173 = arith.index_cast %scan3A_167 : i32 to index
          %parallel_loop3A_174 = arith.index_cast %parallel_loop3A_172 : i32 to index
          %parallel_loop3A_175 = tpu.vector_load %arg12[%parallel_loop3A_173, %parallel_loop3A_174] {strides = array<i32>} : memref<16x1024xf32, #tpu.memory_space<vmem>>, vector<1x16xf32>,
          %parallel_loop3A_176 = vector.shape_cast %parallel_loop3A_175 : vector<1x16xf32> to vector<16xf32>
          %parallel_loop3A_177 = arith.index_cast %scan3A_167 : i32 to index
          %parallel_loop3A_178 = arith.index_cast %parallel_loop3A_172 : i32 to index
          %parallel_loop3A_179 = tpu.vector_load %arg9[%parallel_loop3A_177, %parallel_loop3A_178] {strides = array<i32>} : memref<16x1024xf32, #tpu.memory_space<vmem>>, vector<1x16xf32>,
          %parallel_loop3A_180 = vector.shape_cast %parallel_loop3A_179 : vector<1x16xf32> to vector<16xf32>
          %parallel_loop3A_181 = vector.shape_cast %parallel_loop3A_176 : vector<16xf32> to vector<1x16xf32>
          tpu.vector_store %arg9[%parallel_loop3A_177, %parallel_loop3A_178], %parallel_loop3A_181 {add = true, strides = array<i32>} : memref<16x1024xf32, #tpu.memory_space<vmem>>, vector<1x16xf32>,
        } {sc.loop_unroll_factor = 8 : i64, sc.parallel_access}
      }
      %scan3A_159 = arith.constant 16 : i32
      %mul3A_160 = arith.constant 16 : i32
      %mul3A_161 = arith.muli %add3A_136, %mul3A_160 : i32
      %add3A_162 = arith.addi %mul3A_2, %mul3A_161 : i32
      %dma_start3A_163 = arith.constant 0 : i32
      %dma_start3A_164 = tpu.memref_slice %arg5[%add3A_162, %dma_start3A_163] : memref<32768x1024xf32, #tpu.memory_space<hbm>> -> memref<16x1024xf32, #tpu.memory_space<hbm>>
      %dma_start3A_165 = arith.constant 0 : i32
      %dma_start3A_166 = tpu.memref_slice %arg5[%add3A_162, %dma_start3A_165] : memref<32768x1024xf32, #tpu.memory_space<hbm>> -> memref<16x1024xf32, #tpu.memory_space<hbm>>
      tpu.enqueue_dma source(%arg9 : memref<16x1024xf32, #tpu.memory_space<vmem>>) target(%dma_start3A_166 : memref<16x1024xf32, #tpu.memory_space<hbm>>) target_semaphore(%arg21 : memref<!tpu.dma_semaphore, #tpu.memory_space<semaphore_mem>>)
    }
    %scan3A_27 = arith.constant 21 : i32
    %dma_wait3A = arith.constant 0 : i32
    %dma_wait3A_28 = arith.constant 0 : i32
    %dma_wait3A_29 = tpu.memref_slice %arg2[%dma_wait3A, %dma_wait3A_28] : memref<32768x1024xf32, #tpu.memory_space<hbm>> -> memref<16x1024xf32, #tpu.memory_space<hbm>>
    %dma_wait3A_30 = arith.constant 0 : i32
    %dma_wait3A_31 = arith.constant 0 : i32
    %dma_wait3A_32 = tpu.memref_slice %arg2[%dma_wait3A_30, %dma_wait3A_31] : memref<32768x1024xf32, #tpu.memory_space<hbm>> -> memref<16x1024xf32, #tpu.memory_space<hbm>>
    tpu.wait_dma2 semaphore(%arg13 : memref<!tpu.dma_semaphore, #tpu.memory_space<semaphore_mem>>) src(%dma_wait3A_32 : memref<16x1024xf32, #tpu.memory_space<hbm>>) dst(%arg7 : memref<16x1024xf32, #tpu.memory_space<vmem>>)
    %dma_wait3A_33 = arith.constant 0 : i32
    %dma_wait3A_34 = tpu.memref_slice %arg6[%dma_wait3A_33] : memref<1024xi32, #tpu.memory_space<vmem>> -> memref<16xi32, #tpu.memory_space<vmem>>
    %dma_wait3A_35 = arith.constant 0 : i32
    %dma_wait3A_36 = arith.constant 0 : i32
    %dma_wait3A_37 = tpu.memref_slice %arg3[%dma_wait3A_35, %dma_wait3A_36] : memref<8192x1024xf32, #tpu.memory_space<hbm>> -> memref<8192x1024xf32, #tpu.memory_space<hbm>>
    tpu.wait_indirect_dma semaphore(%arg16 : memref<!tpu.dma_semaphore, #tpu.memory_space<semaphore_mem>>) src(%dma_wait3A_37 : memref<8192x1024xf32, #tpu.memory_space<hbm>>) dst(%arg10 : memref<16x1024xf32, #tpu.memory_space<vmem>>)
    %scan3A_38 = arith.constant 0 : i32
    %scan3A_39 = arith.constant 16 : i32
    %scan3A_40 = arith.addi %scan3A_38, %scan3A_39 : i32
    %scan3A_41 = arith.constant 1 : i32
    scf.for %scan3A_67 = %scan3A_38 to %scan3A_40 step %scan3A_41  : i32 {
      %parallel_loop3A = arith.constant 0 : i32
      %parallel_loop3A_68 = arith.constant 64 : i32
      %parallel_loop3A_69 = arith.constant 1 : i32
      scf.for %parallel_loop3A_70 = %parallel_loop3A to %parallel_loop3A_68 step %parallel_loop3A_69  : i32 {
        %parallel_loop3A_71 = arith.constant 16 : i32
        %parallel_loop3A_72 = arith.muli %parallel_loop3A_70, %parallel_loop3A_71 : i32
        %parallel_loop3A_73 = arith.index_cast %scan3A_67 : i32 to index
        %parallel_loop3A_74 = arith.index_cast %parallel_loop3A_72 : i32 to index
        %parallel_loop3A_75 = tpu.vector_load %arg10[%parallel_loop3A_73, %parallel_loop3A_74] {strides = array<i32>} : memref<16x1024xf32, #tpu.memory_space<vmem>>, vector<1x16xf32>,
        %parallel_loop3A_76 = vector.shape_cast %parallel_loop3A_75 : vector<1x16xf32> to vector<16xf32>
        %parallel_loop3A_77 = arith.index_cast %scan3A_67 : i32 to index
        %parallel_loop3A_78 = arith.index_cast %parallel_loop3A_72 : i32 to index
        %parallel_loop3A_79 = tpu.vector_load %arg7[%parallel_loop3A_77, %parallel_loop3A_78] {strides = array<i32>} : memref<16x1024xf32, #tpu.memory_space<vmem>>, vector<1x16xf32>,
        %parallel_loop3A_80 = vector.shape_cast %parallel_loop3A_79 : vector<1x16xf32> to vector<16xf32>
        %parallel_loop3A_81 = vector.shape_cast %parallel_loop3A_76 : vector<16xf32> to vector<1x16xf32>
        tpu.vector_store %arg7[%parallel_loop3A_77, %parallel_loop3A_78], %parallel_loop3A_81 {add = true, strides = array<i32>} : memref<16x1024xf32, #tpu.memory_space<vmem>>, vector<1x16xf32>,
      } {sc.loop_unroll_factor = 8 : i64, sc.parallel_access}
    }
    %scan3A_42 = arith.constant 16 : i32
    %add3A_43 = arith.constant 1008 : i32
    %add3A_44 = arith.addi %mul3A_2, %add3A_43 : i32
    %dma_start3A_45 = arith.constant 0 : i32
    %dma_start3A_46 = tpu.memref_slice %arg5[%add3A_44, %dma_start3A_45] : memref<32768x1024xf32, #tpu.memory_space<hbm>> -> memref<16x1024xf32, #tpu.memory_space<hbm>>
    %dma_start3A_47 = arith.constant 0 : i32
    %dma_start3A_48 = tpu.memref_slice %arg5[%add3A_44, %dma_start3A_47] : memref<32768x1024xf32, #tpu.memory_space<hbm>> -> memref<16x1024xf32, #tpu.memory_space<hbm>>
    tpu.enqueue_dma source(%arg7 : memref<16x1024xf32, #tpu.memory_space<vmem>>) target(%dma_start3A_48 : memref<16x1024xf32, #tpu.memory_space<hbm>>) target_semaphore(%arg19 : memref<!tpu.dma_semaphore, #tpu.memory_space<semaphore_mem>>)
    %dma_wait3A_49 = arith.constant 0 : i32
    %dma_wait3A_50 = arith.constant 0 : i32
    %dma_wait3A_51 = tpu.memref_slice %arg5[%dma_wait3A_49, %dma_wait3A_50] : memref<32768x1024xf32, #tpu.memory_space<hbm>> -> memref<16x1024xf32, #tpu.memory_space<hbm>>
    %dma_wait3A_52 = arith.constant 0 : i32
    %dma_wait3A_53 = arith.constant 0 : i32
    %dma_wait3A_54 = tpu.memref_slice %arg5[%dma_wait3A_52, %dma_wait3A_53] : memref<32768x1024xf32, #tpu.memory_space<hbm>> -> memref<16x1024xf32, #tpu.memory_space<hbm>>
    tpu.wait_dma2 semaphore(%arg19 : memref<!tpu.dma_semaphore, #tpu.memory_space<semaphore_mem>>) src(%arg7 : memref<16x1024xf32, #tpu.memory_space<vmem>>) dst(%dma_wait3A_54 : memref<16x1024xf32, #tpu.memory_space<hbm>>)
    %dma_wait3A_55 = arith.constant 0 : i32
    %dma_wait3A_56 = arith.constant 0 : i32
    %dma_wait3A_57 = tpu.memref_slice %arg5[%dma_wait3A_55, %dma_wait3A_56] : memref<32768x1024xf32, #tpu.memory_space<hbm>> -> memref<16x1024xf32, #tpu.memory_space<hbm>>
    %dma_wait3A_58 = arith.constant 0 : i32
    %dma_wait3A_59 = arith.constant 0 : i32
    %dma_wait3A_60 = tpu.memref_slice %arg5[%dma_wait3A_58, %dma_wait3A_59] : memref<32768x1024xf32, #tpu.memory_space<hbm>> -> memref<16x1024xf32, #tpu.memory_space<hbm>>
    tpu.wait_dma2 semaphore(%arg20 : memref<!tpu.dma_semaphore, #tpu.memory_space<semaphore_mem>>) src(%arg8 : memref<16x1024xf32, #tpu.memory_space<vmem>>) dst(%dma_wait3A_60 : memref<16x1024xf32, #tpu.memory_space<hbm>>)
    %dma_wait3A_61 = arith.constant 0 : i32
    %dma_wait3A_62 = arith.constant 0 : i32
    %dma_wait3A_63 = tpu.memref_slice %arg5[%dma_wait3A_61, %dma_wait3A_62] : memref<32768x1024xf32, #tpu.memory_space<hbm>> -> memref<16x1024xf32, #tpu.memory_space<hbm>>
    %dma_wait3A_64 = arith.constant 0 : i32
    %dma_wait3A_65 = arith.constant 0 : i32
    %dma_wait3A_66 = tpu.memref_slice %arg5[%dma_wait3A_64, %dma_wait3A_65] : memref<32768x1024xf32, #tpu.memory_space<hbm>> -> memref<16x1024xf32, #tpu.memory_space<hbm>>
    tpu.wait_dma2 semaphore(%arg21 : memref<!tpu.dma_semaphore, #tpu.memory_space<semaphore_mem>>) src(%arg9 : memref<16x1024xf32, #tpu.memory_space<vmem>>) dst(%dma_wait3A_66 : memref<16x1024xf32, #tpu.memory_space<hbm>>)
    return
  }
}

</mosaic_0001>

<sc_bundles>
// kernel: kernel.3.cloned.1.call-start
scs
__scs_entry_jumppad:
0x0: {  	(pc) =	sbr.rel $0x88, $3  }
0x1: {  	(tag) =	ssettag $0x0;
	lr =	simm.s32 $0x1  }
0x2: {  	[smem:$0x3F9E] =	sst lr;
	_ =	strace $0xD0000000  }
0x3: {  	_ = 	snop  }
0x4: {  	_ = 	snop  }
0x5: {  	_ = 	snop  }
0x6: {  	_ = 	snop  }
0x7: {  	_ = 	snop  }
__scs_overlays_trampoline_lowered:
0x8: {  	[smem:$0x3FAD] =	sst s0  }
0x9: {  	[smem:$0x3FAE] =	sst s1  }
0xa: {  	[smem:$0x3FAF] =	sst s2  }
0xb: {  	[smem:$0x3FB0] =	sst s3  }
0xc: {  	[smem:$0x3FB1] =	sst s4  }
0xd: {  	[smem:$0x3FB2] =	sst s5  }
0xe: {  	[smem:$0x3FB3] =	sst s6  }
0xf: {  	[smem:$0x3FB4] =	sst s7  }
0x10: {  	[smem:$0x3FB5] =	sst s8  }
0x11: {  	[smem:$0x3FB6] =	sst s9;
	s0 =	simm.s32 @!p0 $0x0  }
0x12: {  	s1 =	sld [smem:$0x3F9C];
	s0 =	simm.s32 @p0 $0x1  }
0x13: {  	[smem:$0x3FB7] =	sst s0;
	s0 =	simm.s32 @!p1 $0x0  }
0x14: {  	s2 =	sld [smem:$0x3F9B];
	s0 =	simm.s32 @p1 $0x1  }
0x15: {  	[smem:$0x3FB8] =	sst s0;
	s0 =	simm.s32 @!p2 $0x0  }
0x16: {  	s3 =	sld [smem:$0x3FDB];
	s0 =	simm.s32 @p2 $0x1  }
0x17: {  	s4 =	simm.s32 $0x1BF5;
	[smem:$0x3FBA] =	sst s0  }
0x18: {  	s0 =	sld [smem:$0x3F9D];
	_ =	swait.ge [sflag:s4], $0x0  }
0x19: {  	s7 =	sld [smem:$0x3F9E]  }
0x1a: {  	s8 =	sadd.s32 $0xFFFFE003, lr  }
0x1b: {  	s9 =	sadd.s32 $0xFFFFFEF7, lr;
	s5 =	simm.s32 $0xFFFFFFFF;
	p2 =	slt.u32 s8, $0xFFFFF086  }
0x1c: {  	p1 =	slt.u32 s9, $0xF7A;
	s5 =	simm.s32 @!p2 $0x0  }
0x1d: {  	s5 =	simm.s32 @p1 $0x1;
	p0 =	seq.s32 s7, s2  }
0x1e: {  	s7 =	smul.u32 @!p0 $0xF7A, s2;
	p2 =	seq.s32 @!p0 s5, $0x0  }
0x1f: {  	s9 =	smul.u32 $0xF7A, s1;
	s8 =	simm.s32 @!p0 $0x1BF5;
	p2 =	por !p2, p0  }
0x20: {  	[sflag:s8] =	ssyncset.s32 @!p0 $0xFFFFF086;
	s6 =	sadd.s32 @!p0 s3, s7;
	s7 =	simm.s32 @!p0 $0x108  }
0x21: {  	s3 =	sadd.s32 s3, s9;
	s6 =	sadd.s32 @!p0 $0x88, s6;
	s7 =	simm.s32 @p2 $0x1082  }
0x22: {  	[simem:s7], [sflag:s8] =	dma.local @!p0 [hbm:s6], $0xF7A  }
0x23: {  	s9 =	sor.u32 $0xD0000000, s2;
	s6 =	simm.s32 $0x108;
	_ =	swait.ge @!p0 [sflag:s8], $0x0  }
0x24: {  	s3 =	sadd.s32 $0x88, s3;
	s6 =	simm.s32 @!p1 $0x1082;
	[sflag:s4] =	ssyncset.s32 $0xFFFFF086  }
0x25: {  	[simem:s6], [sflag:s4] =	dma.local [hbm:s3], $0xF7A  }
0x26: {  	[smem:$0x3F9E] =	sst s1;
	(tag) =	ssettag s2;
	_ =	strace s9  }
0x27: {  	s1 =	sld [smem:$0x3FAE]  }
0x28: {  	s2 =	sld [smem:$0x3FAF]  }
0x29: {  	s4 =	sld [smem:$0x3FB1]  }
0x2a: {  	p0 =	seq.s32 s5, $0x0;
	s5 =	sld [smem:$0x3FB2]  }
0x2b: {  	s6 =	sld [smem:$0x3FB3]  }
0x2c: {  	s7 =	sld [smem:$0x3FB4]  }
0x2d: {  	s3 =	simm.s32 $0x108;
	s8 =	sld [smem:$0x3FB5]  }
0x2e: {  	s3 =	simm.s32 @!p0 $0x1082;
	s9 =	sld [smem:$0x3FB6]  }
0x2f: {  	lr =	sadd.s32 s0, s3;
	s0 =	sld [smem:$0x3FAD]  }
0x30: {  	s3 =	sld [smem:$0x3FB0]  }
0x31: {  	[smem:$0x3FB9] =	sst s10  }
0x32: {  	s10 =	sld [smem:$0x3FB7];
	_ =	sdelay $0x3  }
0x33: {  	p0 =	seq.s32 s10, $0x1;
	s10 =	sld [smem:$0x3FB9];
	_ =	sdelay $0x3  }
0x34: {  	[smem:$0x3FB9] =	sst s10  }
0x35: {  	s10 =	sld [smem:$0x3FB8];
	_ =	sdelay $0x3  }
0x36: {  	p1 =	seq.s32 s10, $0x1;
	s10 =	sld [smem:$0x3FB9];
	_ =	sdelay $0x3  }
0x37: {  	[smem:$0x3FB9] =	sst s10  }
0x38: {  	s10 =	sld [smem:$0x3FBA]  }
0x39: {  	_ = 	snop;
	(pc) =	sbr.ind lr, $3  }
0x3a: {  	_ = 	snop  }
0x3b: {  	_ = 	snop  }
0x3c: {  	p2 =	seq.s32 s10, $0x1;
	s10 =	sld [smem:$0x3FB9]  }
0x3d: {  	_ =	shalt  }
0x3e: {  	_ =	shalt  }
0x3f: {  	_ =	shalt  }
0x40: {  	_ =	shalt  }
0x41: {  	_ =	shalt  }
0x42: {  	_ =	shalt  }
0x43: {  	_ =	shalt  }
0x44: {  	_ =	shalt  }
0x45: {  	_ =	shalt  }
0x46: {  	_ =	shalt  }
0x47: {  	_ =	shalt  }
0x48: {  	_ =	shalt  }
0x49: {  	_ =	shalt  }
0x4a: {  	_ =	shalt  }
0x4b: {  	_ =	shalt  }
0x4c: {  	_ =	shalt  }
0x4d: {  	_ =	shalt  }
0x4e: {  	_ =	shalt  }
0x4f: {  	_ =	shalt  }
0x50: {  	_ =	shalt  }
0x51: {  	_ =	shalt  }
0x52: {  	_ =	shalt  }
0x53: {  	_ =	shalt  }
0x54: {  	_ =	shalt  }
0x55: {  	_ =	shalt  }
0x56: {  	_ =	shalt  }
0x57: {  	_ =	shalt  }
0x58: {  	_ =	shalt  }
0x59: {  	_ =	shalt  }
0x5a: {  	_ =	shalt  }
0x5b: {  	_ =	shalt  }
0x5c: {  	_ =	shalt  }
0x5d: {  	_ =	shalt  }
0x5e: {  	_ =	shalt  }
0x5f: {  	_ =	shalt  }
0x60: {  	_ =	shalt  }
0x61: {  	_ =	shalt  }
0x62: {  	_ =	shalt  }
0x63: {  	_ =	shalt  }
0x64: {  	_ =	shalt  }
0x65: {  	_ =	shalt  }
0x66: {  	_ =	shalt  }
0x67: {  	_ =	shalt  }
0x68: {  	_ =	shalt  }
0x69: {  	_ =	shalt  }
0x6a: {  	_ =	shalt  }
0x6b: {  	_ =	shalt  }
0x6c: {  	_ =	shalt  }
0x6d: {  	_ =	shalt  }
0x6e: {  	_ =	shalt  }
0x6f: {  	_ =	shalt  }
0x70: {  	_ =	shalt  }
0x71: {  	_ =	shalt  }
0x72: {  	_ =	shalt  }
0x73: {  	_ =	shalt  }
0x74: {  	_ =	shalt  }
0x75: {  	_ =	shalt  }
0x76: {  	_ =	shalt  }
0x77: {  	_ =	shalt  }
0x78: {  	_ =	shalt  }
0x79: {  	_ =	shalt  }
0x7a: {  	_ =	shalt  }
0x7b: {  	_ =	shalt  }
0x7c: {  	_ =	shalt  }
0x7d: {  	_ =	shalt  }
0x7e: {  	_ =	shalt  }
0x7f: {  	_ =	shalt  }
0x80: {  	_ =	shalt  }
0x81: {  	_ =	shalt  }
0x82: {  	_ =	shalt  }
0x83: {  	_ =	shalt  }
0x84: {  	_ =	shalt  }
0x85: {  	_ =	shalt  }
0x86: {  	_ =	shalt  }
0x87: {  	_ =	shalt  }
.Lfunc_end0:
.L_simem_size_0:
called_computation_lowered:
.L_overlay_start_0:
0x88: {  	s2 =	sld [smem:$0x3FD9]  }
0x89: {  	s3 =	sld [smem:$0x3FFE];
	_ =	sdelay $0x1  }
0x8a: {  	s1 =	srdreg.scid  }
0x8b: {  	s0 =	sand.u32 $0x1, s1  }
0x8c: {  	s17 =	sshll.u32 s0, $0xA;
	s2 =	sadd.s32 s3, s2  }
0x8d: {  	s2 =	sadd.s32 s2, s17  }
0x8e: {  	[smem:$0x3FC5] =	sst s2  }
0x8f: {  	_ = 	snop  }
0x90: {  	s2 =	sld [smem:$0x3FC9]  }
0x91: {  	s18 =	sld [smem:$0x3FC8]  }
0x92: {  	s4 =	sld [smem:$0x3FD0];
	(tm) =	ssettm $0x1  }
0x93: {  	s5 =	sld [smem:$0x3FFB];
	_ =	sdelay $0x3  }
0x94: {  	_ =	strace s5  }
0x95: {  	s5 =	sld [smem:$0x3FFC];
	_ =	sdelay $0x3  }
0x96: {  	_ =	strace s5  }
0x97: {  	s5 =	sld [smem:$0x3FFD];
	_ =	sdelay $0x3  }
0x98: {  	_ =	strace s5  }
0x99: {  	_ =	strace $0x8FFFFFFF  }
0x9a: {  	s19 =	sld [smem:$0x3FDB];
	_ =	sdelay $0x1  }
0x9b: {  	s6 =	simm.s32 $_scs_section_size  }
0x9c: {  	s7 =	simm.s32 $_size__tile_overlayer_lowered;
	s8 =	simm.s32 $_tile_overlayer_lowered  }
0x9d: {  	s22 =	simm.s32 $0x1BFF;
	s21 =	sshll.u32 s8, $0x1;
	s5 =	sadd.s32 s6, s19  }
0x9e: {  	s9 =	simm.s32 $0x0;
	s20 =	sshll.u32 s7, $0x1;
	s7 =	sadd.s32 s21, s5  }
0x9f: {  	[timem:s9], [sflag:s22] =	dma.local [hbm:s7], s20  }
0xa0: {  	_ =	swait.ge [sflag:s22], s20  }
0xa1: {  	s6 =	ssub.s32 $0x0, s20;
	[sflag:s22] =	ssyncset.done $0x0  }
0xa2: {  	[sflag:s22] =	ssyncadd.s32 s6;
	_ =	sdelay $0x1  }
0xa3: {  	s23 =	simm.s32 $0x1B8B  }
0xa4: {  	_ =	swait.ge [sflag:s23], $0x1  }
0xa5: {  	[sflag:s23] =	ssyncset.done $0x0  }
0xa6: {  	s25 =	simm.s32 $0x1B8E;
	s24 =	sld [smem:$0x3FFE];
	[sflag:s23] =	ssyncadd.s32 $0xFFFFFFFF  }
0xa7: {  	s26 =	simm.s32 $execute0_lowered;
	[smem:$0x3FD2] =	sst s25  }
0xa8: {  	s7 =	sshll.u32 s26, $0x1;
	_ =	strace $0x80000046;
	[dreg:$0x1] =	wrdreg $0xFFFFFFFF  }
0xa9: {  	s28 =	simm.s32 $_size_execute0_lowered;
	s5 =	sadd.s32 s5, s7;
	[dreg:$0x0] =	wrdreg $0x0  }
0xaa: {  	s7 =	sshll.u32 s28, $0x1;
	[dreg:$0x2] =	wrdreg s5  }
0xab: {  	[dreg:$0x3] =	wrdreg s7  }
0xac: {  	[dreg:$0x4] =	wrdreg $0xC0  }
0xad: {  	_ =	task [dreg:s9], $0x5FFFF  }
0xae: {  	[dreg:$0x1] =	wrdreg $0xFFFFFFFF  }
0xaf: {  	[dreg:$0x0] =	wrdreg $0x60  }
0xb0: {  	[dreg:$0x2] =	wrdreg s2  }
0xb1: {  	[dreg:$0x3] =	wrdreg s18  }
0xb2: {  	[dreg:$0x4] =	wrdreg s24  }
0xb3: {  	[dreg:$0x5] =	wrdreg s4  }
0xb4: {  	[dreg:$0x6] =	wrdreg $0x9  }
0xb5: {  	_ =	task.clear_ibuf [dreg:s9], $0x7FFFF;
	_ =	strace $0x90000046  }
0xb6: {  	s29 =	simm.s32 $0x9;
	_ =	strace $0x80000048  }
0xb7: {  	_ =	swait.ge [sflag:s29], $0x1  }
0xb8: {  	[sflag:s29] =	ssyncadd.s32 $0xFFFFFFFF  }
0xb9: {  	_ =	strace $0x90000048  }
0xba: {  	_ =	sfence  }
0xbb: {  	s30 =	sld [smem:$0x0];
	_ =	sdelay $0x2  }
0xbc: {  	s31 =	sshll.u32 s1, $0xD;
	s1 =	sshrl.u32 s1, $0x2  }
0xbd: {  	s3 =	sand.u32 $0x4000, s31;
	s1 =	sadd.s32 s1, s30  }
0xbe: {  	s0 =	sor.u32 s3, s0;
	s1 =	sshll.u32 s1, $0x11  }
0xbf: {  	s0 =	sor.u32 s1, s0  }
0xc0: {  	s0 =	sadd.s32 $0x8F2B, s0  }
0xc1: {  	[sflag:s0] =	ssyncadd.remote.s32 $0x1  }
0xc2: {  	_ =	sfence.sel $0xFFFF  }
0xc3: {  	[dreg:$0x0] =	wrdreg $0xFFFFFFFF;
	(pc) =	sbr.abs _section_cstart, $3  }
0xc4: {  	[dreg:$0x1] =	wrdreg $0xFFFFFFFF  }
0xc5: {  	_ =	task.clear_ibuf [dreg:s9], $0x2FFFF;
	_ =	strace $0x9FFFFFFF  }
0xc6: {  	(tm) =	ssettm $0x7FFFFFFF  }
0xc7: {  	_ =	shalt  }
tec
execute0_lowered:
.L_overlay_start_1:
0x0: {  	(tag) =	ssettag $0x1  }
0x1: {  	s1 =	rddreg [dreg:$0x0]  }
0x2: {  	s2 =	rddreg [dreg:$0x1]  }
0x3: {  	s0 =	rddreg [dreg:$0x2]  }
0x4: {  	s4 =	rddreg [dreg:$0x3]  }
0x5: {  	s3 =	srdreg.scid;
	s6 =	stileid.u32  }
0x6: {  	s5 =	simm.s32 $0x0;
	s18 =	simm.s32 $0x400;
	s28 =	simm.s32 $0x4400  }
0x7: {  	s17 =	simm.s32 $0x4;
	s19 =	simm.s32 $0x7;
	s20 =	simm.s32 $0x5  }
0x8: {  	s29 =	simm.s32 $0x3;
	s21 =	simm.s32 $0x6;
	s15 =	simm.s32 $0x0  }
0x9: {  	s3 =	sand.u32 $0x1, s3;
	s6 =	sshll.u32 s6, $0xB;
	[smem:$0x7FF] =	sst s5  }
0xa: {  	s9 =	sadd.s32 $0x100, s2;
	s10 =	sadd.s32 $0x200, s2;
	s7 =	sshll.u32 s3, $0xA  }
0xb: {  	s11 =	sadd.s32 $0x300, s2;
	s3 =	ssub.s32 $0x2, s3;
	s6 =	sor.u32 s7, s6  }
0xc: {  	_ =	strace $0x80000047;
	s8 =	sshrl.u32 s3, $0x1;
	s25 =	sshll.u32 s6, $0x7  }
0xd: {  	s7 =	sshrl.u32 s6, $0x3;
	s3 =	ssub.s32 s3, s8;
	s26 =	sadd.s32 s1, s25  }
0xe: {  	s0 =	sadd.s32 s7, s0;
	s31 =	smax.u32 s3, $0x1;
	[dreg:$0x6] =	wrdreg s26  }
0xf: {  	s12 =	sadd.s32 s4, s25;
	s0 =	sadd.s32 $0x400, s0;
	[dreg:$0x9] =	wrdreg s31  }
0x10: {  	v2 =	vlaneseq.u32;
	s14 =	sor.u32 $0x10, s6;
	s30 =	sadd.s32 $0x1F800, s12;
	[dreg:$0x5] =	wrdreg s0  }
0x11: {  	vm0 =	vmmov $0xffff;
	v1 =	vshrl.u32 v2, $0x3;
	s8 =	simm.s32 $0x1;
	s0 =	sadd.s32 $0x800, s26;
	[dreg:$0x8] =	wrdreg s30  }
0x12: {  	v0 =	vand.u32 $0x7, v2;
	v2 =	vor.u32 $0x8, v2;
	v1 =	vmul.u32 $0x8, v1;
	s3 =	simm.s32 $0x2;
	[dreg:$0x7] =	wrdreg s0;
	s0 =	simm.s32 $0x8400  }
.LBB2_1:
0x13: {  	[dreg:$0xa] =	wrdreg s15  }
0x14: {  	s7 =	rddreg [dreg:$0x5];
	s31 =	simm.s32 $0xA  }
0x15: {  	[tilespmem:s5], [sflag:$0xA] =	stream.linear.gather [hbm4b:s7+s5], $0x400, $0x38;
	[tilespmem:$0x18400] =	vst v63  }
0x16: {  	_ =	swait.ge [sflag:s31], $0x400  }
0x17: {  	[sflag:s31] =	ssyncset.done $0x0  }
0x18: {  	s13 =	rddreg [dreg:$0x6];
	[sflag:s31] =	ssyncadd.s32 $0xFFFFFC00  }
0x19: {  	[tilespmem:s18], [sflag:$0x1] =	stream.linear.gather [hbm4b:s13+s5], $0x4000, $0x38;
	[tilespmem:$0x18400] =	vst v63  }
0x1a: {  	v3 =	vld [tilespmem:$0x0];
	_ =	sdelay $0x4  }
0x1b: {  	v4 =	vshll.u32 v3, $0x3  }
0x1c: {  	v3 =	vand.u32 $0x7, v3;
	v4 =	vand.u32 $0xFFFFFFC0, v4  }
0x1d: {  	v3 =	vor.u32 v3, v4  }
0x1e: {  	v4 =	vperm.xlane v3, v0;
	_ =	sdelay $0x1  }
0x1f: {  	v4 =	vadd.s32 v1, v4;
	_ =	sdelay $0x3  }
0x20: {  	s15 =	simm.s32 $0xC400  }
0x21: {  	[tilespmem:s15], [sflag:$0x4] =	stream.indirect_vreg.gather [hbm4b:s2+s5], $0x80, v4, vm0, $0xb8;
	[tilespmem:$0x18400] =	vst v63  }
0x22: {  	s16 =	simm.s32 $0xCC00;
	v3 =	vperm.xlane v3, v2  }
0x23: {  	[tilespmem:s16], [sflag:$0x4] =	stream.indirect_vreg.gather [hbm4b:s9+s5], $0x80, v4, vm0, $0xb8;
	[tilespmem:$0x18400] =	vst v63  }
0x24: {  	s22 =	simm.s32 $0xD400;
	v3 =	vadd.s32 v1, v3  }
0x25: {  	[tilespmem:s22], [sflag:$0x4] =	stream.indirect_vreg.gather [hbm4b:s10+s5], $0x80, v4, vm0, $0xb8;
	[tilespmem:$0x18400] =	vst v63  }
0x26: {  	s23 =	simm.s32 $0xDC00  }
0x27: {  	[tilespmem:s23], [sflag:$0x4] =	stream.indirect_vreg.gather [hbm4b:s11+s5], $0x80, v4, vm0, $0xb8;
	[tilespmem:$0x18400] =	vst v63  }
0x28: {  	s24 =	simm.s32 $0xE400  }
0x29: {  	[tilespmem:s24], [sflag:$0x4] =	stream.indirect_vreg.gather [hbm4b:s2+s5], $0x80, v3, vm0, $0xb8;
	[tilespmem:$0x18400] =	vst v63  }
0x2a: {  	s25 =	simm.s32 $0xEC00  }
0x2b: {  	[tilespmem:s25], [sflag:$0x4] =	stream.indirect_vreg.gather [hbm4b:s9+s5], $0x80, v3, vm0, $0xb8;
	[tilespmem:$0x18400] =	vst v63  }
0x2c: {  	s26 =	simm.s32 $0xF400  }
0x2d: {  	[tilespmem:s26], [sflag:$0x4] =	stream.indirect_vreg.gather [hbm4b:s10+s5], $0x80, v3, vm0, $0xb8;
	[tilespmem:$0x18400] =	vst v63  }
0x2e: {  	s31 =	simm.s32 $0xFC00  }
0x2f: {  	[tilespmem:s31], [sflag:$0x4] =	stream.indirect_vreg.gather [hbm4b:s11+s5], $0x80, v3, vm0, $0xb8;
	[tilespmem:$0x18400] =	vst v63  }
0x30: {  	s13 =	rddreg [dreg:$0x7]  }
0x31: {  	[tilespmem:s28], [sflag:$0x2] =	stream.linear.gather [hbm4b:s13+s5], $0x4000, $0x38;
	[tilespmem:$0x18400] =	vst v63  }
0x32: {  	v3 =	vld [tilespmem:$0x10];
	_ =	sdelay $0x4  }
0x33: {  	v63 =	vshll.u32 v3, $0x3  }
0x34: {  	v3 =	vand.u32 $0x7, v3;
	v4 =	vand.u32 $0xFFFFFFC0, v63  }
0x35: {  	v3 =	vor.u32 v3, v4  }
0x36: {  	v4 =	vperm.xlane v3, v0;
	_ =	sdelay $0x1  }
0x37: {  	v4 =	vadd.s32 v1, v4;
	_ =	sdelay $0x3  }
0x38: {  	s15 =	simm.s32 $0x10400  }
0x39: {  	[tilespmem:s15], [sflag:$0x5] =	stream.indirect_vreg.gather [hbm4b:s2+s5], $0x80, v4, vm0, $0xb8;
	[tilespmem:$0x18400] =	vst v63  }
0x3a: {  	s16 =	simm.s32 $0x10C00;
	v3 =	vperm.xlane v3, v2  }
0x3b: {  	[tilespmem:s16], [sflag:$0x5] =	stream.indirect_vreg.gather [hbm4b:s9+s5], $0x80, v4, vm0, $0xb8;
	[tilespmem:$0x18400] =	vst v63  }
0x3c: {  	s22 =	simm.s32 $0x11400;
	v3 =	vadd.s32 v1, v3  }
0x3d: {  	[tilespmem:s22], [sflag:$0x5] =	stream.indirect_vreg.gather [hbm4b:s10+s5], $0x80, v4, vm0, $0xb8;
	[tilespmem:$0x18400] =	vst v63  }
0x3e: {  	s23 =	simm.s32 $0x11C00  }
0x3f: {  	[tilespmem:s23], [sflag:$0x5] =	stream.indirect_vreg.gather [hbm4b:s11+s5], $0x80, v4, vm0, $0xb8;
	[tilespmem:$0x18400] =	vst v63  }
0x40: {  	s24 =	simm.s32 $0x12400  }
0x41: {  	[tilespmem:s24], [sflag:$0x5] =	stream.indirect_vreg.gather [hbm4b:s2+s5], $0x80, v3, vm0, $0xb8;
	[tilespmem:$0x18400] =	vst v63  }
0x42: {  	s25 =	simm.s32 $0x12C00  }
0x43: {  	[tilespmem:s25], [sflag:$0x5] =	stream.indirect_vreg.gather [hbm4b:s9+s5], $0x80, v3, vm0, $0xb8;
	[tilespmem:$0x18400] =	vst v63  }
0x44: {  	s26 =	simm.s32 $0x13400  }
0x45: {  	[tilespmem:s26], [sflag:$0x5] =	stream.indirect_vreg.gather [hbm4b:s10+s5], $0x80, v3, vm0, $0xb8;
	[tilespmem:$0x18400] =	vst v63  }
0x46: {  	s30 =	simm.s32 $0x0;
	s31 =	simm.s32 $0x13C00  }
0x47: {  	[tilespmem:s31], [sflag:$0x5] =	stream.indirect_vreg.gather [hbm4b:s11+s5], $0x80, v3, vm0, $0xb8;
	[tilespmem:$0x18400] =	vst v63  }
.LBB2_2:
0x48: {  	s7 =	smul.u32 $0x3, s30;
	_ =	sdelay $0x1  }
0x49: {  	p0 =	seq.s32 s30, $0x0;
	s22 =	sadd.s32 $0x2, s7  }
0x4a: {  	s7 =	simm.s32 @!p0 $0x9;
	s13 =	sshll.u32 s22, $0x4  }
0x4b: {  	_ =	swait.ge @!p0 [sflag:s7], $0x4000;
	s15 =	sadd.s32 s6, s13  }
0x4c: {  	[sflag:s7] =	ssyncset.done @!p0 $0x0;
	s15 =	sshll.u32 s15, $0x7  }
0x4d: {  	s23 =	simm.s32 $0x0;
	[sflag:s7] =	ssyncadd.s32 @!p0 $0xFFFFC000;
	s24 =	sadd.s32 s1, s15  }
0x4e: {  	[tilespmem:s0], [sflag:$0x3] =	stream.linear.gather [hbm4b:s24+s23], $0x4000, $0x38;
	[tilespmem:$0x18400] =	vst v63  }
0x4f: {  	v3 =	vld [tilespmem:s13+$0x0];
	_ =	sdelay $0x4  }
0x50: {  	v4 =	vshll.u32 v3, $0x3  }
0x51: {  	v3 =	vand.u32 $0x7, v3;
	v4 =	vand.u32 $0xFFFFFFC0, v4  }
0x52: {  	v3 =	vor.u32 v3, v4  }
0x53: {  	v4 =	vperm.xlane v3, v0;
	_ =	sdelay $0x1  }
0x54: {  	v4 =	vadd.s32 v1, v4;
	_ =	sdelay $0x3  }
0x55: {  	s25 =	simm.s32 $0x14400  }
0x56: {  	[tilespmem:s25], [sflag:$0x6] =	stream.indirect_vreg.gather [hbm4b:s2+s23], $0x80, v4, vm0, $0xb8;
	[tilespmem:$0x18400] =	vst v63  }
0x57: {  	s26 =	simm.s32 $0x14C00;
	v3 =	vperm.xlane v3, v2  }
0x58: {  	[tilespmem:s26], [sflag:$0x6] =	stream.indirect_vreg.gather [hbm4b:s9+s23], $0x80, v4, vm0, $0xb8;
	[tilespmem:$0x18400] =	vst v63  }
0x59: {  	s13 =	simm.s32 $0x15400;
	v3 =	vadd.s32 v1, v3  }
0x5a: {  	[tilespmem:s13], [sflag:$0x6] =	stream.indirect_vreg.gather [hbm4b:s10+s23], $0x80, v4, vm0, $0xb8;
	[tilespmem:$0x18400] =	vst v63  }
0x5b: {  	s15 =	simm.s32 $0x15C00  }
0x5c: {  	[tilespmem:s15], [sflag:$0x6] =	stream.indirect_vreg.gather [hbm4b:s11+s23], $0x80, v4, vm0, $0xb8;
	[tilespmem:$0x18400] =	vst v63  }
0x5d: {  	s16 =	simm.s32 $0x16400  }
0x5e: {  	[tilespmem:s16], [sflag:$0x6] =	stream.indirect_vreg.gather [hbm4b:s2+s23], $0x80, v3, vm0, $0xb8;
	[tilespmem:$0x18400] =	vst v63  }
0x5f: {  	s24 =	simm.s32 $0x16C00  }
0x60: {  	[tilespmem:s24], [sflag:$0x6] =	stream.indirect_vreg.gather [hbm4b:s9+s23], $0x80, v3, vm0, $0xb8;
	[tilespmem:$0x18400] =	vst v63  }
0x61: {  	s25 =	simm.s32 $0x17400  }
0x62: {  	[tilespmem:s25], [sflag:$0x6] =	stream.indirect_vreg.gather [hbm4b:s10+s23], $0x80, v3, vm0, $0xb8;
	[tilespmem:$0x18400] =	vst v63  }
0x63: {  	s26 =	simm.s32 $0x17C00  }
0x64: {  	[tilespmem:s26], [sflag:$0x6] =	stream.indirect_vreg.gather [hbm4b:s11+s23], $0x80, v3, vm0, $0xb8;
	[tilespmem:$0x18400] =	vst v63  }
0x65: {  	_ =	swait.ge [sflag:s8], $0x4000  }
0x66: {  	[sflag:s8] =	ssyncset.done $0x0  }
0x67: {  	[sflag:s8] =	ssyncadd.s32 $0xFFFFC000  }
0x68: {  	_ =	swait.ge [sflag:s17], $0x4000  }
0x69: {  	[sflag:s17] =	ssyncset.done $0x0  }
0x6a: {  	s31 =	simm.s32 $0x0;
	s7 =	simm.s32 $0x0;
	[sflag:s17] =	ssyncadd.s32 $0xFFFFC000  }
.LBB2_3:
0x6b: {  	s13 =	sand.u32 $0x7, s31  }
0x6c: {  	s13 =	sshll.u32 s13, $0x9  }
0x6d: {  	s24 =	sshrl.u32 s13, $0x2  }
0x6e: {  	v3 =	vmov s24;
	_ =	sdelay $0x2  }
0x6f: {  	s26 =	sand.u32 $0x3FFFE000, s23  }
0x70: {  	s15 =	sadd.s32 $0xC440, s26  }
0x71: {  	v4 =	vld.idx.msk [tilespmem:v3+s15+$0x30 ss:$0x1], $0xffff  }
0x72: {  	v5 =	vld.idx.msk [tilespmem:v3+s15+$0xFFFFFFD0 ss:$0x1], $0xffff  }
0x73: {  	v6 =	vld.idx.msk [tilespmem:v3+s15+$0xFFFFFFE0 ss:$0x1], $0xffff  }
0x74: {  	v7 =	vld.idx.msk [tilespmem:v3+s15+$0xFFFFFFF0 ss:$0x1], $0xffff  }
0x75: {  	v8 =	vld.idx.msk [tilespmem:v3+s15+$0x0 ss:$0x1], $0xffff  }
0x76: {  	s13 =	sor.u32 $0x400, s26;
	v9 =	vld.idx.msk [tilespmem:v3+s15+$0x10 ss:$0x1], $0xffff  }
0x77: {  	s26 =	sadd.s32 s24, s13;
	v10 =	vld.idx.msk [tilespmem:v3+s15+$0xFFFFFFC0 ss:$0x1], $0xffff  }
0x78: {  	[tilespmem:s26+$0x70] =	vst.add.f32.msk $0xffff, v4  }
0x79: {  	v4 =	vld.idx.msk [tilespmem:v3+s15+$0x20 ss:$0x1], $0xffff  }
0x7a: {  	[tilespmem:s26+$0x10] =	vst.add.f32.msk $0xffff, v5  }
0x7b: {  	[tilespmem:s26+$0x20] =	vst.add.f32.msk $0xffff, v6  }
0x7c: {  	[tilespmem:s26+$0x30] =	vst.add.f32.msk $0xffff, v7  }
0x7d: {  	[tilespmem:s26+$0x40] =	vst.add.f32.msk $0xffff, v8  }
0x7e: {  	[tilespmem:s26+$0x50] =	vst.add.f32.msk $0xffff, v9  }
0x7f: {  	[tilespmem:s26+$0x0] =	vst.add.f32.msk $0xffff, v10  }
0x80: {  	s25 =	simm.s32 $0x0;
	s15 =	sadd.s32 $0x400, s15;
	[tilespmem:s26+$0x60] =	vst.add.f32.msk $0xffff, v4  }
.LBB2_4:
0x81: {  	v4 =	vld.idx.msk [tilespmem:v3+s15+$0x30 ss:$0x1], $0xffff;
	s25 =	sadd.s32 $0x8, s25  }
0x82: {  	v5 =	vld.idx.msk [tilespmem:v3+s15+$0xFFFFFFD0 ss:$0x1], $0xffff;
	p0 =	slt.u32 s25, $0x38  }
0x83: {  	v6 =	vld.idx.msk [tilespmem:v3+s15+$0xFFFFFFE0 ss:$0x1], $0xffff  }
0x84: {  	v7 =	vld.idx.msk [tilespmem:v3+s15+$0xFFFFFFF0 ss:$0x1], $0xffff  }
0x85: {  	s13 =	sadd.s32 $0x400, s13;
	v8 =	vld.idx.msk [tilespmem:v3+s15+$0x0 ss:$0x1], $0xffff  }
0x86: {  	s26 =	sadd.s32 s24, s13;
	v9 =	vld.idx.msk [tilespmem:v3+s15+$0x10 ss:$0x1], $0xffff  }
0x87: {  	[tilespmem:s26+$0x70] =	vst.add.f32.msk $0xffff, v4  }
0x88: {  	v4 =	vld.idx.msk [tilespmem:v3+s15+$0x20 ss:$0x1], $0xffff  }
0x89: {  	v10 =	vld.idx.msk [tilespmem:v3+s15+$0xFFFFFFC0 ss:$0x1], $0xffff  }
0x8a: {  	[tilespmem:s26+$0x10] =	vst.add.f32.msk $0xffff, v5  }
0x8b: {  	[tilespmem:s26+$0x20] =	vst.add.f32.msk $0xffff, v6  }
.Ltmp0:
0x8c: {  	[tilespmem:s26+$0x30] =	vst.add.f32.msk $0xffff, v7;
	(pc) =	sbr.rel @p0 .LBB2_4-.Ltmp0, $4  }
0x8d: {  	[tilespmem:s26+$0x40] =	vst.add.f32.msk $0xffff, v8  }
0x8e: {  	[tilespmem:s26+$0x50] =	vst.add.f32.msk $0xffff, v9  }
0x8f: {  	[tilespmem:s26+$0x0] =	vst.add.f32.msk $0xffff, v10  }
0x90: {  	s15 =	sadd.s32 $0x400, s15;
	[tilespmem:s26+$0x60] =	vst.add.f32.msk $0xffff, v4  }
0x91: {  	s7 =	sadd.s32 $0x1, s7  }
0x92: {  	p0 =	sne.s32 s7, $0x10  }
.Ltmp1:
0x93: {  	_ = 	snop;
	(pc) =	sbr.rel @p0 .LBB2_3-.Ltmp1, $2  }
0x94: {  	_ =	sdelay $0x2  }
0x95: {  	s31 =	sadd.s32 $0x1, s31;
	s23 =	sadd.s32 $0x400, s23  }
0x96: {  	s31 =	smul.u32 $0x30, s30;
	_ =	sdelay $0x1  }
0x97: {  	s7 =	sadd.s32 s6, s31  }
0x98: {  	s7 =	sshll.u32 s7, $0x7  }
0x99: {  	s23 =	simm.s32 $0x0;
	s24 =	sadd.s32 $0x30, s31;
	s7 =	sadd.s32 s4, s7  }
0x9a: {  	[hbm4b:s7+s23] =	stream.linear.scatter [tilespmem:s18], [sflag:$0x7], $0x4000, $0x38;
	[tilespmem:$0x18400] =	vst v63  }
0x9b: {  	s7 =	sadd.s32 s6, s24;
	_ =	swait.ge [sflag:s19], $0x4000  }
0x9c: {  	s7 =	sshll.u32 s7, $0x7;
	[sflag:s19] =	ssyncset.done $0x0  }
0x9d: {  	s7 =	sadd.s32 s1, s7;
	[sflag:s19] =	ssyncadd.s32 $0xFFFFC000  }
0x9e: {  	[tilespmem:s18], [sflag:$0x1] =	stream.linear.gather [hbm4b:s7+s23], $0x4000, $0x38;
	[tilespmem:$0x18400] =	vst v63  }
0x9f: {  	v3 =	vld [tilespmem:s31+$0x30];
	_ =	sdelay $0x4  }
0xa0: {  	v4 =	vshll.u32 v3, $0x3  }
0xa1: {  	v3 =	vand.u32 $0x7, v3;
	v4 =	vand.u32 $0xFFFFFFC0, v4  }
0xa2: {  	v3 =	vor.u32 v3, v4  }
0xa3: {  	v4 =	vperm.xlane v3, v0;
	_ =	sdelay $0x1  }
0xa4: {  	v4 =	vadd.s32 v1, v4;
	_ =	sdelay $0x3  }
0xa5: {  	s25 =	simm.s32 $0xC400  }
0xa6: {  	[tilespmem:s25], [sflag:$0x4] =	stream.indirect_vreg.gather [hbm4b:s2+s23], $0x80, v4, vm0, $0xb8;
	[tilespmem:$0x18400] =	vst v63  }
0xa7: {  	s26 =	simm.s32 $0xCC00;
	v3 =	vperm.xlane v3, v2  }
0xa8: {  	[tilespmem:s26], [sflag:$0x4] =	stream.indirect_vreg.gather [hbm4b:s9+s23], $0x80, v4, vm0, $0xb8;
	[tilespmem:$0x18400] =	vst v63  }
0xa9: {  	s13 =	simm.s32 $0xD400;
	v3 =	vadd.s32 v1, v3  }
0xaa: {  	[tilespmem:s13], [sflag:$0x4] =	stream.indirect_vreg.gather [hbm4b:s10+s23], $0x80, v4, vm0, $0xb8;
	[tilespmem:$0x18400] =	vst v63  }
0xab: {  	s15 =	simm.s32 $0xDC00  }
0xac: {  	[tilespmem:s15], [sflag:$0x4] =	stream.indirect_vreg.gather [hbm4b:s11+s23], $0x80, v4, vm0, $0xb8;
	[tilespmem:$0x18400] =	vst v63  }
0xad: {  	s16 =	simm.s32 $0xE400  }
0xae: {  	[tilespmem:s16], [sflag:$0x4] =	stream.indirect_vreg.gather [hbm4b:s2+s23], $0x80, v3, vm0, $0xb8;
	[tilespmem:$0x18400] =	vst v63  }
0xaf: {  	s24 =	simm.s32 $0xEC00  }
0xb0: {  	[tilespmem:s24], [sflag:$0x4] =	stream.indirect_vreg.gather [hbm4b:s9+s23], $0x80, v3, vm0, $0xb8;
	[tilespmem:$0x18400] =	vst v63  }
0xb1: {  	s25 =	simm.s32 $0xF400  }
0xb2: {  	[tilespmem:s25], [sflag:$0x4] =	stream.indirect_vreg.gather [hbm4b:s10+s23], $0x80, v3, vm0, $0xb8;
	[tilespmem:$0x18400] =	vst v63  }
0xb3: {  	s26 =	simm.s32 $0xFC00  }
0xb4: {  	[tilespmem:s26], [sflag:$0x4] =	stream.indirect_vreg.gather [hbm4b:s11+s23], $0x80, v3, vm0, $0xb8;
	[tilespmem:$0x18400] =	vst v63  }
0xb5: {  	_ =	swait.ge [sflag:s3], $0x4000  }
0xb6: {  	[sflag:s3] =	ssyncset.done $0x0  }
0xb7: {  	[sflag:s3] =	ssyncadd.s32 $0xFFFFC000  }
0xb8: {  	_ =	swait.ge [sflag:s20], $0x4000  }
0xb9: {  	[sflag:s20] =	ssyncset.done $0x0  }
0xba: {  	s7 =	simm.s32 $0x0;
	s24 =	simm.s32 $0x0;
	[sflag:s20] =	ssyncadd.s32 $0xFFFFC000  }
.LBB2_7:
0xbb: {  	s13 =	sand.u32 $0x7, s7  }
0xbc: {  	s13 =	sshll.u32 s13, $0x9  }
0xbd: {  	s13 =	sshrl.u32 s13, $0x2  }
0xbe: {  	v3 =	vmov s13;
	_ =	sdelay $0x2  }
0xbf: {  	s15 =	sand.u32 $0x3FFFE000, s23  }
0xc0: {  	s26 =	sadd.s32 $0x10440, s15  }
0xc1: {  	v4 =	vld.idx.msk [tilespmem:v3+s26+$0x30 ss:$0x1], $0xffff  }
0xc2: {  	v5 =	vld.idx.msk [tilespmem:v3+s26+$0xFFFFFFD0 ss:$0x1], $0xffff  }
0xc3: {  	v6 =	vld.idx.msk [tilespmem:v3+s26+$0xFFFFFFE0 ss:$0x1], $0xffff  }
0xc4: {  	v7 =	vld.idx.msk [tilespmem:v3+s26+$0xFFFFFFF0 ss:$0x1], $0xffff  }
0xc5: {  	v8 =	vld.idx.msk [tilespmem:v3+s26+$0x0 ss:$0x1], $0xffff  }
0xc6: {  	s25 =	sadd.s32 $0x4400, s15;
	v9 =	vld.idx.msk [tilespmem:v3+s26+$0x10 ss:$0x1], $0xffff  }
0xc7: {  	s16 =	sadd.s32 s13, s25;
	v10 =	vld.idx.msk [tilespmem:v3+s26+$0xFFFFFFC0 ss:$0x1], $0xffff  }
0xc8: {  	[tilespmem:s16+$0x70] =	vst.add.f32.msk $0xffff, v4  }
0xc9: {  	v4 =	vld.idx.msk [tilespmem:v3+s26+$0x20 ss:$0x1], $0xffff  }
0xca: {  	[tilespmem:s16+$0x10] =	vst.add.f32.msk $0xffff, v5  }
0xcb: {  	[tilespmem:s16+$0x20] =	vst.add.f32.msk $0xffff, v6  }
0xcc: {  	[tilespmem:s16+$0x30] =	vst.add.f32.msk $0xffff, v7  }
0xcd: {  	[tilespmem:s16+$0x40] =	vst.add.f32.msk $0xffff, v8  }
0xce: {  	[tilespmem:s16+$0x50] =	vst.add.f32.msk $0xffff, v9  }
0xcf: {  	[tilespmem:s16+$0x0] =	vst.add.f32.msk $0xffff, v10  }
0xd0: {  	s15 =	simm.s32 $0x0;
	s26 =	sadd.s32 $0x400, s26;
	[tilespmem:s16+$0x60] =	vst.add.f32.msk $0xffff, v4  }
.LBB2_8:
0xd1: {  	v4 =	vld.idx.msk [tilespmem:v3+s26+$0x30 ss:$0x1], $0xffff;
	s15 =	sadd.s32 $0x8, s15  }
0xd2: {  	v5 =	vld.idx.msk [tilespmem:v3+s26+$0xFFFFFFD0 ss:$0x1], $0xffff;
	p0 =	slt.u32 s15, $0x38  }
0xd3: {  	v6 =	vld.idx.msk [tilespmem:v3+s26+$0xFFFFFFE0 ss:$0x1], $0xffff  }
0xd4: {  	v7 =	vld.idx.msk [tilespmem:v3+s26+$0xFFFFFFF0 ss:$0x1], $0xffff  }
0xd5: {  	s25 =	sadd.s32 $0x400, s25;
	v8 =	vld.idx.msk [tilespmem:v3+s26+$0x0 ss:$0x1], $0xffff  }
0xd6: {  	s16 =	sadd.s32 s13, s25;
	v9 =	vld.idx.msk [tilespmem:v3+s26+$0x10 ss:$0x1], $0xffff  }
0xd7: {  	[tilespmem:s16+$0x70] =	vst.add.f32.msk $0xffff, v4  }
0xd8: {  	v4 =	vld.idx.msk [tilespmem:v3+s26+$0x20 ss:$0x1], $0xffff  }
0xd9: {  	v10 =	vld.idx.msk [tilespmem:v3+s26+$0xFFFFFFC0 ss:$0x1], $0xffff  }
0xda: {  	[tilespmem:s16+$0x10] =	vst.add.f32.msk $0xffff, v5  }
0xdb: {  	[tilespmem:s16+$0x20] =	vst.add.f32.msk $0xffff, v6  }
.Ltmp2:
0xdc: {  	[tilespmem:s16+$0x30] =	vst.add.f32.msk $0xffff, v7;
	(pc) =	sbr.rel @p0 .LBB2_8-.Ltmp2, $4  }
0xdd: {  	[tilespmem:s16+$0x40] =	vst.add.f32.msk $0xffff, v8  }
0xde: {  	[tilespmem:s16+$0x50] =	vst.add.f32.msk $0xffff, v9  }
0xdf: {  	[tilespmem:s16+$0x0] =	vst.add.f32.msk $0xffff, v10  }
0xe0: {  	s26 =	sadd.s32 $0x400, s26;
	[tilespmem:s16+$0x60] =	vst.add.f32.msk $0xffff, v4  }
0xe1: {  	s24 =	sadd.s32 $0x1, s24  }
0xe2: {  	p0 =	sne.s32 s24, $0x10  }
.Ltmp3:
0xe3: {  	_ = 	snop;
	(pc) =	sbr.rel @p0 .LBB2_7-.Ltmp3, $2  }
0xe4: {  	_ =	sdelay $0x2  }
0xe5: {  	s7 =	sadd.s32 $0x1, s7;
	s23 =	sadd.s32 $0x400, s23  }
0xe6: {  	s7 =	sadd.s32 s31, s14  }
0xe7: {  	s7 =	sshll.u32 s7, $0x7  }
0xe8: {  	p0 =	seq.s32 s30, $0x14;
	s7 =	sadd.s32 s4, s7  }
0xe9: {  	[hbm4b:s7+s5] =	stream.linear.scatter [tilespmem:s28], [sflag:$0x8], $0x4000, $0x38;
	[tilespmem:$0x18400] =	vst v63  }
0xea: {  	s7 =	simm.s32 @!p0 $0x8  }
0xeb: {  	s13 =	sadd.s32 @!p0 $0x40, s31;
	_ =	swait.ge @!p0 [sflag:s7], $0x4000  }
0xec: {  	s13 =	sadd.s32 @!p0 s6, s13;
	[sflag:s7] =	ssyncset.done @!p0 $0x0  }
0xed: {  	[sflag:s7] =	ssyncadd.s32 @!p0 $0xFFFFC000;
	s7 =	sshll.u32 @!p0 s13, $0x7  }
0xee: {  	s15 =	simm.s32 @!p0 $0x4400;
	s13 =	simm.s32 @!p0 $0x0;
	s7 =	sadd.s32 @!p0 s1, s7  }
0xef: {  	[tilespmem:s15], [sflag:$0x2] =	stream.linear.gather @!p0 [hbm4b:s7+s13], $0x4000, $0x38;
	[tilespmem:$0x18400] =	vst v63  }
0xf0: {  	v3 =	vld @!p0 [tilespmem:s31+$0x40];
	_ =	sdelay $0x4  }
0xf1: {  	v4 =	vshll.u32 @!p0 v3, $0x3  }
0xf2: {  	v5 =	vlaneseq.u32 @!p0;
	v3 =	vand.u32 @!p0 $0x7, v3;
	v4 =	vand.u32 @!p0 $0xFFFFFFC0, v4  }
0xf3: {  	v6 =	vshrl.u32 @!p0 v5, $0x3;
	v3 =	vor.u32 @!p0 v3, v4;
	v4 =	vand.u32 @!p0 $0x7, v5  }
0xf4: {  	v6 =	vmul.u32 @!p0 $0x8, v6;
	v4 =	vperm.xlane @!p0 v3, v4;
	_ =	sdelay $0x1  }
0xf5: {  	v4 =	vadd.s32 @!p0 v6, v4;
	_ =	sdelay $0x3  }
0xf6: {  	vm1 =	vmmov @!p0 $0xffff;
	s7 =	simm.s32 @!p0 $0x10400  }
0xf7: {  	v5 =	vor.u32 @!p0 $0x8, v5;
	[tilespmem:s7], [sflag:$0x5] =	stream.indirect_vreg.gather @!p0 [hbm4b:s2+s13], $0x80, v4, vm1, $0xb8;
	[tilespmem:$0x18400] =	vst v63  }
0xf8: {  	v3 =	vperm.xlane @!p0 v3, v5;
	s7 =	simm.s32 @!p0 $0x10C00  }
0xf9: {  	[tilespmem:s7], [sflag:$0x5] =	stream.indirect_vreg.gather @!p0 [hbm4b:s9+s13], $0x80, v4, vm1, $0xb8;
	[tilespmem:$0x18400] =	vst v63  }
0xfa: {  	v3 =	vadd.s32 @!p0 v6, v3;
	s7 =	simm.s32 @!p0 $0x11400  }
0xfb: {  	[tilespmem:s7], [sflag:$0x5] =	stream.indirect_vreg.gather @!p0 [hbm4b:s10+s13], $0x80, v4, vm1, $0xb8;
	[tilespmem:$0x18400] =	vst v63  }
0xfc: {  	s7 =	simm.s32 @!p0 $0x11C00  }
0xfd: {  	[tilespmem:s7], [sflag:$0x5] =	stream.indirect_vreg.gather @!p0 [hbm4b:s11+s13], $0x80, v4, vm1, $0xb8;
	[tilespmem:$0x18400] =	vst v63  }
0xfe: {  	s7 =	simm.s32 @!p0 $0x12400  }
0xff: {  	[tilespmem:s7], [sflag:$0x5] =	stream.indirect_vreg.gather @!p0 [hbm4b:s2+s13], $0x80, v3, vm1, $0xb8;
	[tilespmem:$0x18400] =	vst v63  }
0x100: {  	s7 =	simm.s32 @!p0 $0x12C00  }
0x101: {  	[tilespmem:s7], [sflag:$0x5] =	stream.indirect_vreg.gather @!p0 [hbm4b:s9+s13], $0x80, v3, vm1, $0xb8;
	[tilespmem:$0x18400] =	vst v63  }
0x102: {  	s7 =	simm.s32 @!p0 $0x13400  }
0x103: {  	[tilespmem:s7], [sflag:$0x5] =	stream.indirect_vreg.gather @!p0 [hbm4b:s10+s13], $0x80, v3, vm1, $0xb8;
	[tilespmem:$0x18400] =	vst v63  }
0x104: {  	s7 =	simm.s32 @!p0 $0x13C00  }
0x105: {  	[tilespmem:s7], [sflag:$0x5] =	stream.indirect_vreg.gather @!p0 [hbm4b:s11+s13], $0x80, v3, vm1, $0xb8;
	[tilespmem:$0x18400] =	vst v63  }
0x106: {  	_ =	swait.ge [sflag:s29], $0x4000  }
0x107: {  	[sflag:s29] =	ssyncset.done $0x0  }
0x108: {  	[sflag:s29] =	ssyncadd.s32 $0xFFFFC000  }
0x109: {  	_ =	swait.ge [sflag:s21], $0x4000  }
0x10a: {  	s23 =	simm.s32 $0x0;
	[sflag:s21] =	ssyncset.done $0x0  }
0x10b: {  	s24 =	simm.s32 $0x0;
	s7 =	simm.s32 $0x0;
	[sflag:s21] =	ssyncadd.s32 $0xFFFFC000  }
.LBB2_11:
0x10c: {  	s13 =	sand.u32 $0x7, s7  }
0x10d: {  	s13 =	sshll.u32 s13, $0x9  }
0x10e: {  	s13 =	sshrl.u32 s13, $0x2  }
0x10f: {  	v3 =	vmov s13;
	_ =	sdelay $0x2  }
0x110: {  	s15 =	sand.u32 $0x3FFFE000, s23  }
0x111: {  	s16 =	sadd.s32 $0x14440, s15  }
0x112: {  	v4 =	vld.idx.msk [tilespmem:v3+s16+$0x30 ss:$0x1], $0xffff  }
0x113: {  	v5 =	vld.idx.msk [tilespmem:v3+s16+$0xFFFFFFD0 ss:$0x1], $0xffff  }
0x114: {  	v6 =	vld.idx.msk [tilespmem:v3+s16+$0xFFFFFFE0 ss:$0x1], $0xffff  }
0x115: {  	v7 =	vld.idx.msk [tilespmem:v3+s16+$0xFFFFFFF0 ss:$0x1], $0xffff  }
0x116: {  	v8 =	vld.idx.msk [tilespmem:v3+s16+$0x0 ss:$0x1], $0xffff  }
0x117: {  	s25 =	sadd.s32 $0x8400, s15;
	v9 =	vld.idx.msk [tilespmem:v3+s16+$0x10 ss:$0x1], $0xffff  }
0x118: {  	s26 =	sadd.s32 s13, s25;
	v10 =	vld.idx.msk [tilespmem:v3+s16+$0xFFFFFFC0 ss:$0x1], $0xffff  }
0x119: {  	[tilespmem:s26+$0x70] =	vst.add.f32.msk $0xffff, v4  }
0x11a: {  	v4 =	vld.idx.msk [tilespmem:v3+s16+$0x20 ss:$0x1], $0xffff  }
0x11b: {  	[tilespmem:s26+$0x10] =	vst.add.f32.msk $0xffff, v5  }
0x11c: {  	[tilespmem:s26+$0x20] =	vst.add.f32.msk $0xffff, v6  }
0x11d: {  	[tilespmem:s26+$0x30] =	vst.add.f32.msk $0xffff, v7  }
0x11e: {  	[tilespmem:s26+$0x40] =	vst.add.f32.msk $0xffff, v8  }
0x11f: {  	[tilespmem:s26+$0x50] =	vst.add.f32.msk $0xffff, v9  }
0x120: {  	[tilespmem:s26+$0x0] =	vst.add.f32.msk $0xffff, v10  }
0x121: {  	s15 =	simm.s32 $0x0;
	[tilespmem:s26+$0x60] =	vst.add.f32.msk $0xffff, v4;
	s26 =	sadd.s32 $0x400, s16  }
.LBB2_12:
0x122: {  	v4 =	vld.idx.msk [tilespmem:v3+s26+$0x30 ss:$0x1], $0xffff;
	s15 =	sadd.s32 $0x8, s15  }
0x123: {  	v5 =	vld.idx.msk [tilespmem:v3+s26+$0xFFFFFFD0 ss:$0x1], $0xffff;
	p0 =	slt.u32 s15, $0x38  }
0x124: {  	v6 =	vld.idx.msk [tilespmem:v3+s26+$0xFFFFFFE0 ss:$0x1], $0xffff  }
0x125: {  	v7 =	vld.idx.msk [tilespmem:v3+s26+$0xFFFFFFF0 ss:$0x1], $0xffff  }
0x126: {  	s25 =	sadd.s32 $0x400, s25;
	v8 =	vld.idx.msk [tilespmem:v3+s26+$0x0 ss:$0x1], $0xffff  }
0x127: {  	s16 =	sadd.s32 s13, s25;
	v9 =	vld.idx.msk [tilespmem:v3+s26+$0x10 ss:$0x1], $0xffff  }
0x128: {  	[tilespmem:s16+$0x70] =	vst.add.f32.msk $0xffff, v4  }
0x129: {  	v4 =	vld.idx.msk [tilespmem:v3+s26+$0x20 ss:$0x1], $0xffff  }
0x12a: {  	v10 =	vld.idx.msk [tilespmem:v3+s26+$0xFFFFFFC0 ss:$0x1], $0xffff  }
0x12b: {  	[tilespmem:s16+$0x10] =	vst.add.f32.msk $0xffff, v5  }
0x12c: {  	[tilespmem:s16+$0x20] =	vst.add.f32.msk $0xffff, v6  }
.Ltmp4:
0x12d: {  	[tilespmem:s16+$0x30] =	vst.add.f32.msk $0xffff, v7;
	(pc) =	sbr.rel @p0 .LBB2_12-.Ltmp4, $4  }
0x12e: {  	[tilespmem:s16+$0x40] =	vst.add.f32.msk $0xffff, v8  }
0x12f: {  	[tilespmem:s16+$0x50] =	vst.add.f32.msk $0xffff, v9  }
0x130: {  	[tilespmem:s16+$0x0] =	vst.add.f32.msk $0xffff, v10  }
0x131: {  	s26 =	sadd.s32 $0x400, s26;
	[tilespmem:s16+$0x60] =	vst.add.f32.msk $0xffff, v4  }
0x132: {  	s24 =	sadd.s32 $0x1, s24  }
0x133: {  	p0 =	sne.s32 s24, $0x10  }
.Ltmp5:
0x134: {  	_ = 	snop;
	(pc) =	sbr.rel @p0 .LBB2_11-.Ltmp5, $2  }
0x135: {  	_ =	sdelay $0x2  }
0x136: {  	s7 =	sadd.s32 $0x1, s7;
	s23 =	sadd.s32 $0x400, s23  }
0x137: {  	s30 =	sadd.s32 $0x1, s30  }
0x138: {  	p0 =	sne.s32 s30, $0x15  }
.Ltmp6:
0x139: {  	_ = 	snop;
	(pc) =	sbr.rel @p0 .LBB2_2-.Ltmp6, $4  }
0x13a: {  	_ = 	snop  }
0x13b: {  	s7 =	sshll.u32 s22, $0xB  }
0x13c: {  	s7 =	sadd.s32 s7, s12  }
0x13d: {  	[hbm4b:s7+s5] =	stream.linear.scatter [tilespmem:s0], [sflag:$0x9], $0x4000, $0x38;
	[tilespmem:$0x18400] =	vst v63  }
0x13e: {  	_ =	swait.ge [sflag:s8], $0x4000  }
0x13f: {  	[sflag:s8] =	ssyncset.done $0x0  }
0x140: {  	[sflag:s8] =	ssyncadd.s32 $0xFFFFC000  }
0x141: {  	_ =	swait.ge [sflag:s17], $0x4000  }
0x142: {  	s22 =	simm.s32 $0x0;
	[sflag:s17] =	ssyncset.done $0x0  }
0x143: {  	s7 =	simm.s32 $0x0;
	s23 =	simm.s32 $0x0;
	[sflag:s17] =	ssyncadd.s32 $0xFFFFC000  }
.LBB2_16:
0x144: {  	s13 =	sand.u32 $0x7, s7  }
0x145: {  	s13 =	sshll.u32 s13, $0x9  }
0x146: {  	s13 =	sshrl.u32 s13, $0x2  }
0x147: {  	v3 =	vmov s13;
	_ =	sdelay $0x2  }
0x148: {  	s15 =	sand.u32 $0x3FFFE000, s22  }
0x149: {  	s16 =	sadd.s32 $0xC440, s15  }
0x14a: {  	v4 =	vld.idx.msk [tilespmem:v3+s16+$0x30 ss:$0x1], $0xffff  }
0x14b: {  	v5 =	vld.idx.msk [tilespmem:v3+s16+$0xFFFFFFD0 ss:$0x1], $0xffff  }
0x14c: {  	v6 =	vld.idx.msk [tilespmem:v3+s16+$0xFFFFFFE0 ss:$0x1], $0xffff  }
0x14d: {  	v7 =	vld.idx.msk [tilespmem:v3+s16+$0xFFFFFFF0 ss:$0x1], $0xffff  }
0x14e: {  	v8 =	vld.idx.msk [tilespmem:v3+s16+$0x0 ss:$0x1], $0xffff  }
0x14f: {  	s24 =	sor.u32 $0x400, s15;
	v9 =	vld.idx.msk [tilespmem:v3+s16+$0x10 ss:$0x1], $0xffff  }
0x150: {  	s25 =	sadd.s32 s13, s24;
	v10 =	vld.idx.msk [tilespmem:v3+s16+$0xFFFFFFC0 ss:$0x1], $0xffff  }
0x151: {  	[tilespmem:s25+$0x70] =	vst.add.f32.msk $0xffff, v4  }
0x152: {  	v4 =	vld.idx.msk [tilespmem:v3+s16+$0x20 ss:$0x1], $0xffff  }
0x153: {  	[tilespmem:s25+$0x10] =	vst.add.f32.msk $0xffff, v5  }
0x154: {  	[tilespmem:s25+$0x20] =	vst.add.f32.msk $0xffff, v6  }
0x155: {  	[tilespmem:s25+$0x30] =	vst.add.f32.msk $0xffff, v7  }
0x156: {  	[tilespmem:s25+$0x40] =	vst.add.f32.msk $0xffff, v8  }
0x157: {  	[tilespmem:s25+$0x50] =	vst.add.f32.msk $0xffff, v9  }
0x158: {  	[tilespmem:s25+$0x0] =	vst.add.f32.msk $0xffff, v10  }
0x159: {  	s15 =	simm.s32 $0x0;
	[tilespmem:s25+$0x60] =	vst.add.f32.msk $0xffff, v4;
	s25 =	sadd.s32 $0x400, s16  }
.LBB2_17:
0x15a: {  	v4 =	vld.idx.msk [tilespmem:v3+s25+$0x30 ss:$0x1], $0xffff;
	s15 =	sadd.s32 $0x8, s15  }
0x15b: {  	v5 =	vld.idx.msk [tilespmem:v3+s25+$0xFFFFFFD0 ss:$0x1], $0xffff;
	p0 =	slt.u32 s15, $0x38  }
0x15c: {  	v6 =	vld.idx.msk [tilespmem:v3+s25+$0xFFFFFFE0 ss:$0x1], $0xffff  }
0x15d: {  	v7 =	vld.idx.msk [tilespmem:v3+s25+$0xFFFFFFF0 ss:$0x1], $0xffff  }
0x15e: {  	s24 =	sadd.s32 $0x400, s24;
	v8 =	vld.idx.msk [tilespmem:v3+s25+$0x0 ss:$0x1], $0xffff  }
0x15f: {  	s16 =	sadd.s32 s13, s24;
	v9 =	vld.idx.msk [tilespmem:v3+s25+$0x10 ss:$0x1], $0xffff  }
0x160: {  	[tilespmem:s16+$0x70] =	vst.add.f32.msk $0xffff, v4  }
0x161: {  	v4 =	vld.idx.msk [tilespmem:v3+s25+$0x20 ss:$0x1], $0xffff  }
0x162: {  	v10 =	vld.idx.msk [tilespmem:v3+s25+$0xFFFFFFC0 ss:$0x1], $0xffff  }
0x163: {  	[tilespmem:s16+$0x10] =	vst.add.f32.msk $0xffff, v5  }
0x164: {  	[tilespmem:s16+$0x20] =	vst.add.f32.msk $0xffff, v6  }
.Ltmp7:
0x165: {  	[tilespmem:s16+$0x30] =	vst.add.f32.msk $0xffff, v7;
	(pc) =	sbr.rel @p0 .LBB2_17-.Ltmp7, $4  }
0x166: {  	[tilespmem:s16+$0x40] =	vst.add.f32.msk $0xffff, v8  }
0x167: {  	[tilespmem:s16+$0x50] =	vst.add.f32.msk $0xffff, v9  }
0x168: {  	[tilespmem:s16+$0x0] =	vst.add.f32.msk $0xffff, v10  }
0x169: {  	s25 =	sadd.s32 $0x400, s25;
	[tilespmem:s16+$0x60] =	vst.add.f32.msk $0xffff, v4  }
0x16a: {  	s23 =	sadd.s32 $0x1, s23  }
0x16b: {  	p0 =	sne.s32 s23, $0x10  }
.Ltmp8:
0x16c: {  	_ = 	snop;
	(pc) =	sbr.rel @p0 .LBB2_16-.Ltmp8, $2  }
0x16d: {  	_ =	sdelay $0x2  }
0x16e: {  	s7 =	sadd.s32 $0x1, s7;
	s22 =	sadd.s32 $0x400, s22  }
0x16f: {  	s7 =	rddreg [dreg:$0x8]  }
0x170: {  	[hbm4b:s7+s5] =	stream.linear.scatter [tilespmem:s18], [sflag:$0x7], $0x4000, $0x38;
	[tilespmem:$0x18400] =	vst v63  }
0x171: {  	_ =	swait.ge [sflag:s19], $0x4000  }
0x172: {  	[sflag:s19] =	ssyncset.done $0x0  }
0x173: {  	s30 =	simm.s32 $0x8;
	[sflag:s19] =	ssyncadd.s32 $0xFFFFC000  }
0x174: {  	_ =	swait.ge [sflag:s30], $0x4000  }
0x175: {  	[sflag:s30] =	ssyncset.done $0x0  }
0x176: {  	s13 =	simm.s32 $0x9;
	[sflag:s30] =	ssyncadd.s32 $0xFFFFC000  }
0x177: {  	_ =	swait.ge [sflag:s13], $0x4000  }
0x178: {  	s15 =	rddreg [dreg:$0xa]  }
0x179: {  	s31 =	rddreg [dreg:$0x9];
	s15 =	sadd.s32 $0x1, s15  }
0x17a: {  	p0 =	sne.s32 s15, s31  }
.Ltmp9:
0x17b: {  	_ = 	snop;
	(pc) =	sbr.rel @p0 .LBB2_1-.Ltmp9, $3  }
0x17c: {  	_ =	sdelay $0x1  }
0x17d: {  	[sflag:s13] =	ssyncset.done $0x0  }
0x17e: {  	[sflag:s13] =	ssyncadd.s32 $0xFFFFC000  }
0x17f: {  	_ =	sfence.sel $0x180000  }
0x180: {  	[bflag:$0x0] =	sbarrier.arrive $0xFFFF  }
0x181: {  	_ =	strace $0x90000047  }
0x182: {  	s0 =	stileid.u32;
	[bflag:$0x2] =	sbarrier.arrive $0xFFFF  }
0x183: {  	p0 =	sne.s32 s0, $0x0;
	s0 =	rddreg [dreg:$0x4]  }
0x184: {  	s0 =	sadd.s32 @!p0 $0x100000, s0  }
0x185: {  	[sflag:s0] =	ssyncadd.tile.s32 @!p0 $0x1;
	_ =	shalt  }
.Lfunc_end2:
_tile_overlayer_lowered:
.L_overlay_start_2:
0x186: {  	(tag) =	ssettag $0x2  }
0x187: {  	s0 =	rddreg [dreg:$0x0];
	s2 =	stileid.u32  }
0x188: {  	s1 =	rddreg [dreg:$0x1];
	p0 =	sne.s32 s2, $0x0  }
0x189: {  	s3 =	rddreg [dreg:$0x2];
	[bflag:$0x3] =	sbarrier.arrive $0xFFFF;
	s2 =	simm.s32 @!p0 $0x1C0A  }
0x18a: {  	[timem:s3], [sflag:s2] =	dma.local @!p0 [hbm:s0], s1  }
0x18b: {  	s0 =	simm.s32 @!p0 $0xA  }
0x18c: {  	_ =	swait.ge @!p0 [sflag:s0], s1  }
0x18d: {  	s1 =	ssub.s32 @!p0 $0x0, s1;
	[sflag:s0] =	ssyncset.done @!p0 $0x0  }
0x18e: {  	[sflag:s0] =	ssyncadd.s32 @!p0 s1  }
0x18f: {  	[bflag:$0x3] =	sbarrier.arrive $0xFFFF  }
0x190: {  	_ =	shalt  }

</sc_bundles>
